<compile_context>
chip_gen: v7x
topology: tpu7x:2x2x1
jax: 0.10.2.dev20260603
libtpu: 0.0.44.dev20260713+nightly
codegen_flags: <defaults>
</compile_context>

<pallas_src>
import functools

import jax
import jax.numpy as jnp
from jax import lax
from jax.experimental import pallas as pl
from jax.experimental.pallas import tpu as pltpu
from jax.experimental.pallas import tpu_sc as plsc

_NNZ = 2684354
_KEEP = 0.8
_SCALE = 1.25

_NC = 2
_NS = 16
_NW = _NC * _NS
_LANES = 16

_C = 83888
_S = 8192
_NBUF = 4
_NFULL = _C // _S
_REM = _C - _NFULL * _S
_C_TAIL = _NNZ - (_NW - 1) * _C
_REM_TAIL = _C_TAIL - _NFULL * _S
_NSUB = _NFULL + 1
assert 0 < _REM_TAIL <= _REM
_REM16 = -(-_REM // _LANES) * _LANES


def _body(vals_hbm, noise_hbm, out_hbm, *scratch):
    vbufs = scratch[0:_NBUF]
    nbufs = scratch[_NBUF:2 * _NBUF]
    obufs = scratch[2 * _NBUF:3 * _NBUF]
    vsems = scratch[3 * _NBUF:4 * _NBUF]
    nsems = scratch[4 * _NBUF:5 * _NBUF]
    osems = scratch[5 * _NBUF:6 * _NBUF]

    cid = lax.axis_index("c")
    sid = lax.axis_index("s")
    wid = sid * _NC + cid
    base = wid * _C
    is_tail_worker = wid == _NW - 1

    def in_descs(g, size):
        slot = g % _NBUF
        off = base + g * _S
        return (
            pltpu.make_async_copy(vals_hbm.at[pl.ds(off, size)],
                                  vbufs[slot].at[pl.ds(0, size)], vsems[slot]),
            pltpu.make_async_copy(noise_hbm.at[pl.ds(off, size)],
                                  nbufs[slot].at[pl.ds(0, size)], nsems[slot]),
        )

    def out_desc(g, size):
        slot = g % _NBUF
        off = base + g * _S
        return pltpu.make_async_copy(obufs[slot].at[pl.ds(0, size)],
                                     out_hbm.at[pl.ds(off, size)], osems[slot])

    def ragged(g, fn):
        if g < _NSUB - 1:
            fn(_S)
        else:
            @pl.when(jnp.logical_not(is_tail_worker))
            def _():
                fn(_REM)

            @pl.when(is_tail_worker)
            def _():
                fn(_REM_TAIL)

    def start_in(g):
        ragged(g, lambda size: [d.start() for d in in_descs(g, size)])

    def wait_in(g):
        ragged(g, lambda size: [d.wait() for d in in_descs(g, size)])

    def start_out(g):
        ragged(g, lambda size: out_desc(g, size).start())

    def wait_out(g):
        ragged(g, lambda size: out_desc(g, size).wait())

    def compute(g):
        slot = g % _NBUF
        vb, nb, ob = vbufs[slot], nbufs[slot], obufs[slot]
        n_elems = _S if g < _NSUB - 1 else _REM16

        @plsc.parallel_loop(0, n_elems, step=_LANES, unroll=8)
        def _(i):
            sl = pl.ds(i, _LANES)
            v = vb[sl]
            n = nb[sl]
            ob[sl] = jnp.where((n + _KEEP) >= 1.0, v * _SCALE,
                               jnp.zeros_like(v))

    for g in range(min(_NBUF - 1, _NSUB)):
        start_in(g)
    for g in range(_NSUB):
        if g + _NBUF - 1 < _NSUB:
            start_in(g + _NBUF - 1)
        wait_in(g)


_sc_dropout = functools.partial(
    pl.kernel,
    out_type=jax.ShapeDtypeStruct((_NNZ,), jnp.float32),
    mesh=plsc.VectorSubcoreMesh(core_axis_name="c", subcore_axis_name="s"),
    scratch_types=(
        [pltpu.VMEM((_S,), jnp.float32)] * (3 * _NBUF)
        + [pltpu.SemaphoreType.DMA] * (3 * _NBUF)
    ),
)(_body)


def kernel(values, noise, indices):
    del indices
    return _sc_dropout(values, noise)

# --- scband reference (transcript-rebuilt; emitter-appended) ---
"""Pipeline reference for scband-sparse-dropout-62070867362376 (READ-ONLY COPY).

The authoritative reference and input builder live on the scoring server;
editing this copy changes nothing except your own understanding.
"""

import jax, jax.numpy as jnp
import numpy as np

NNZ = 2684354
N = 16384
KEEP_PROB = 0.8

def setup_inputs(seed: int = 0) -> dict:
    key = jax.random.key(seed)
    k1, k2, k3 = jax.random.split(key, 3)
    values = jax.random.normal(k1, (NNZ,), dtype=jnp.float32)
    noise = jax.random.uniform(k2, (NNZ,), dtype=jnp.float32)
    indices = jax.random.randint(k3, (NNZ, 2), 0, N, dtype=jnp.int64)
    return {"values": values, "noise": noise, "indices": indices}

def reference(values, noise, indices):
    # sparse_dropout: random_tensor = keep_prob + uniform(noise_shape)
    # dropout_mask = floor(random_tensor) as bool  (True with prob keep_prob)
    # tf.sparse_retain keeps only masked nonzeros; here we zero the dropped
    # entries (same math on the values vector) and rescale by 1/keep_prob.
    random_tensor = KEEP_PROB + noise
    dropout_mask = jnp.floor(random_tensor).astype(bool)
    pre_out = jnp.where(dropout_mask, values, jnp.zeros_like(values))
    out_values = pre_out * (1.0 / KEEP_PROB)
    return out_values

if __name__ == "__main__":
    import jax
    _d = setup_inputs()
    print(jax.jit(kernel)(*tuple(_d.values())))

</pallas_src>

<mosaic_0001>
#map = affine_map<(d0, d1) -> (0)>
module attributes {stable_mosaic.version = 14 : i64} {
  func.func @_body(%arg0: i32, %arg1: i32, %arg2: memref<2684354xf32, #tpu.memory_space<hbm>>, %arg3: memref<2684354xf32, #tpu.memory_space<hbm>>, %arg4: memref<2684354xf32, #tpu.memory_space<hbm>>, %arg5: memref<8192xf32, #tpu.memory_space<vmem>>, %arg6: memref<8192xf32, #tpu.memory_space<vmem>>, %arg7: memref<8192xf32, #tpu.memory_space<vmem>>, %arg8: memref<8192xf32, #tpu.memory_space<vmem>>, %arg9: memref<8192xf32, #tpu.memory_space<vmem>>, %arg10: memref<8192xf32, #tpu.memory_space<vmem>>, %arg11: memref<8192xf32, #tpu.memory_space<vmem>>, %arg12: memref<8192xf32, #tpu.memory_space<vmem>>, %arg13: memref<8192xf32, #tpu.memory_space<vmem>>, %arg14: memref<8192xf32, #tpu.memory_space<vmem>>, %arg15: memref<8192xf32, #tpu.memory_space<vmem>>, %arg16: memref<8192xf32, #tpu.memory_space<vmem>>, %arg17: memref<!tpu.dma_semaphore, #tpu.memory_space<semaphore_mem>>, %arg18: memref<!tpu.dma_semaphore, #tpu.memory_space<semaphore_mem>>, %arg19: memref<!tpu.dma_semaphore, #tpu.memory_space<semaphore_mem>>, %arg20: memref<!tpu.dma_semaphore, #tpu.memory_space<semaphore_mem>>, %arg21: memref<!tpu.dma_semaphore, #tpu.memory_space<semaphore_mem>>, %arg22: memref<!tpu.dma_semaphore, #tpu.memory_space<semaphore_mem>>, %arg23: memref<!tpu.dma_semaphore, #tpu.memory_space<semaphore_mem>>, %arg24: memref<!tpu.dma_semaphore, #tpu.memory_space<semaphore_mem>>, %arg25: memref<!tpu.dma_semaphore, #tpu.memory_space<semaphore_mem>>, %arg26: memref<!tpu.dma_semaphore, #tpu.memory_space<semaphore_mem>>, %arg27: memref<!tpu.dma_semaphore, #tpu.memory_space<semaphore_mem>>, %arg28: memref<!tpu.dma_semaphore, #tpu.memory_space<semaphore_mem>>) attributes {dimension_semantics = [#tpu.dimension_semantics<core_parallel>, #tpu.dimension_semantics<subcore_parallel>], iteration_bounds = array<i64: 2, 16>, scalar_prefetch = 0 : i64, scratch_operands = 24 : i64, tpu.core_type = #tpu.core_type<sc_vector_subcore>, window_params = [{transform_indices = #map}, {transform_indices = #map}, {transform_indices = #map}]} {
    %mul3A = arith.constant 2 : i32
    %mul3A_0 = arith.muli %arg1, %mul3A : i32
    %add3A = arith.addi %mul3A_0, %arg0 : i32
    %mul3A_1 = arith.constant 83888 : i32
    %mul3A_2 = arith.muli %add3A, %mul3A_1 : i32
    %eq3A = arith.constant 31 : i32
    %eq3A_3 = arith.cmpi eq, %add3A, %eq3A : i32
    %add3A_4 = arith.constant 0 : i32
    %add3A_5 = arith.addi %mul3A_2, %add3A_4 : i32
    %dma_start3A = arith.constant 0 : i32
    %dma_start3A_6 = tpu.memref_slice %arg5[%dma_start3A] : memref<8192xf32, #tpu.memory_space<vmem>> -> memref<8192xf32, #tpu.memory_space<vmem>>
    %dma_start3A_7 = tpu.memref_slice %arg2[%add3A_5] : memref<2684354xf32, #tpu.memory_space<hbm>> -> memref<8192xf32, #tpu.memory_space<hbm>>
    %dma_start3A_8 = arith.constant 0 : i32
    %dma_start3A_9 = tpu.memref_slice %arg5[%dma_start3A_8] : memref<8192xf32, #tpu.memory_space<vmem>> -> memref<8192xf32, #tpu.memory_space<vmem>>
    %dma_start3A_10 = tpu.memref_slice %arg2[%add3A_5] : memref<2684354xf32, #tpu.memory_space<hbm>> -> memref<8192xf32, #tpu.memory_space<hbm>>
    tpu.enqueue_dma source(%dma_start3A_10 : memref<8192xf32, #tpu.memory_space<hbm>>) target(%dma_start3A_9 : memref<8192xf32, #tpu.memory_space<vmem>>) target_semaphore(%arg17 : memref<!tpu.dma_semaphore, #tpu.memory_space<semaphore_mem>>)
    %dma_start3A_11 = arith.constant 0 : i32
    %dma_start3A_12 = tpu.memref_slice %arg9[%dma_start3A_11] : memref<8192xf32, #tpu.memory_space<vmem>> -> memref<8192xf32, #tpu.memory_space<vmem>>
    %dma_start3A_13 = tpu.memref_slice %arg3[%add3A_5] : memref<2684354xf32, #tpu.memory_space<hbm>> -> memref<8192xf32, #tpu.memory_space<hbm>>
    %dma_start3A_14 = arith.constant 0 : i32
    %dma_start3A_15 = tpu.memref_slice %arg9[%dma_start3A_14] : memref<8192xf32, #tpu.memory_space<vmem>> -> memref<8192xf32, #tpu.memory_space<vmem>>
    %dma_start3A_16 = tpu.memref_slice %arg3[%add3A_5] : memref<2684354xf32, #tpu.memory_space<hbm>> -> memref<8192xf32, #tpu.memory_space<hbm>>
    tpu.enqueue_dma source(%dma_start3A_16 : memref<8192xf32, #tpu.memory_space<hbm>>) target(%dma_start3A_15 : memref<8192xf32, #tpu.memory_space<vmem>>) target_semaphore(%arg21 : memref<!tpu.dma_semaphore, #tpu.memory_space<semaphore_mem>>)
    %add3A_17 = arith.constant 8192 : i32
    %add3A_18 = arith.addi %mul3A_2, %add3A_17 : i32
    %dma_start3A_19 = arith.constant 0 : i32
    %dma_start3A_20 = tpu.memref_slice %arg6[%dma_start3A_19] : memref<8192xf32, #tpu.memory_space<vmem>> -> memref<8192xf32, #tpu.memory_space<vmem>>
    %dma_start3A_21 = tpu.memref_slice %arg2[%add3A_18] : memref<2684354xf32, #tpu.memory_space<hbm>> -> memref<8192xf32, #tpu.memory_space<hbm>>
    %dma_start3A_22 = arith.constant 0 : i32
    %dma_start3A_23 = tpu.memref_slice %arg6[%dma_start3A_22] : memref<8192xf32, #tpu.memory_space<vmem>> -> memref<8192xf32, #tpu.memory_space<vmem>>
    %dma_start3A_24 = tpu.memref_slice %arg2[%add3A_18] : memref<2684354xf32, #tpu.memory_space<hbm>> -> memref<8192xf32, #tpu.memory_space<hbm>>
    tpu.enqueue_dma source(%dma_start3A_24 : memref<8192xf32, #tpu.memory_space<hbm>>) target(%dma_start3A_23 : memref<8192xf32, #tpu.memory_space<vmem>>) target_semaphore(%arg18 : memref<!tpu.dma_semaphore, #tpu.memory_space<semaphore_mem>>)
    %dma_start3A_25 = arith.constant 0 : i32
    %dma_start3A_26 = tpu.memref_slice %arg10[%dma_start3A_25] : memref<8192xf32, #tpu.memory_space<vmem>> -> memref<8192xf32, #tpu.memory_space<vmem>>
    %dma_start3A_27 = tpu.memref_slice %arg3[%add3A_18] : memref<2684354xf32, #tpu.memory_space<hbm>> -> memref<8192xf32, #tpu.memory_space<hbm>>
    %dma_start3A_28 = arith.constant 0 : i32
    %dma_start3A_29 = tpu.memref_slice %arg10[%dma_start3A_28] : memref<8192xf32, #tpu.memory_space<vmem>> -> memref<8192xf32, #tpu.memory_space<vmem>>
    %dma_start3A_30 = tpu.memref_slice %arg3[%add3A_18] : memref<2684354xf32, #tpu.memory_space<hbm>> -> memref<8192xf32, #tpu.memory_space<hbm>>
    tpu.enqueue_dma source(%dma_start3A_30 : memref<8192xf32, #tpu.memory_space<hbm>>) target(%dma_start3A_29 : memref<8192xf32, #tpu.memory_space<vmem>>) target_semaphore(%arg22 : memref<!tpu.dma_semaphore, #tpu.memory_space<semaphore_mem>>)
    %add3A_31 = arith.constant 16384 : i32
    %add3A_32 = arith.addi %mul3A_2, %add3A_31 : i32
    %dma_start3A_33 = arith.constant 0 : i32
    %dma_start3A_34 = tpu.memref_slice %arg7[%dma_start3A_33] : memref<8192xf32, #tpu.memory_space<vmem>> -> memref<8192xf32, #tpu.memory_space<vmem>>
    %dma_start3A_35 = tpu.memref_slice %arg2[%add3A_32] : memref<2684354xf32, #tpu.memory_space<hbm>> -> memref<8192xf32, #tpu.memory_space<hbm>>
    %dma_start3A_36 = arith.constant 0 : i32
    %dma_start3A_37 = tpu.memref_slice %arg7[%dma_start3A_36] : memref<8192xf32, #tpu.memory_space<vmem>> -> memref<8192xf32, #tpu.memory_space<vmem>>
    %dma_start3A_38 = tpu.memref_slice %arg2[%add3A_32] : memref<2684354xf32, #tpu.memory_space<hbm>> -> memref<8192xf32, #tpu.memory_space<hbm>>
    tpu.enqueue_dma source(%dma_start3A_38 : memref<8192xf32, #tpu.memory_space<hbm>>) target(%dma_start3A_37 : memref<8192xf32, #tpu.memory_space<vmem>>) target_semaphore(%arg19 : memref<!tpu.dma_semaphore, #tpu.memory_space<semaphore_mem>>)
    %dma_start3A_39 = arith.constant 0 : i32
    %dma_start3A_40 = tpu.memref_slice %arg11[%dma_start3A_39] : memref<8192xf32, #tpu.memory_space<vmem>> -> memref<8192xf32, #tpu.memory_space<vmem>>
    %dma_start3A_41 = tpu.memref_slice %arg3[%add3A_32] : memref<2684354xf32, #tpu.memory_space<hbm>> -> memref<8192xf32, #tpu.memory_space<hbm>>
    %dma_start3A_42 = arith.constant 0 : i32
    %dma_start3A_43 = tpu.memref_slice %arg11[%dma_start3A_42] : memref<8192xf32, #tpu.memory_space<vmem>> -> memref<8192xf32, #tpu.memory_space<vmem>>
    %dma_start3A_44 = tpu.memref_slice %arg3[%add3A_32] : memref<2684354xf32, #tpu.memory_space<hbm>> -> memref<8192xf32, #tpu.memory_space<hbm>>
    tpu.enqueue_dma source(%dma_start3A_44 : memref<8192xf32, #tpu.memory_space<hbm>>) target(%dma_start3A_43 : memref<8192xf32, #tpu.memory_space<vmem>>) target_semaphore(%arg23 : memref<!tpu.dma_semaphore, #tpu.memory_space<semaphore_mem>>)
    %add3A_45 = arith.constant 24576 : i32
    %add3A_46 = arith.addi %mul3A_2, %add3A_45 : i32
    %dma_start3A_47 = arith.constant 0 : i32
    %dma_start3A_48 = tpu.memref_slice %arg8[%dma_start3A_47] : memref<8192xf32, #tpu.memory_space<vmem>> -> memref<8192xf32, #tpu.memory_space<vmem>>
    %dma_start3A_49 = tpu.memref_slice %arg2[%add3A_46] : memref<2684354xf32, #tpu.memory_space<hbm>> -> memref<8192xf32, #tpu.memory_space<hbm>>
    %dma_start3A_50 = arith.constant 0 : i32
    %dma_start3A_51 = tpu.memref_slice %arg8[%dma_start3A_50] : memref<8192xf32, #tpu.memory_space<vmem>> -> memref<8192xf32, #tpu.memory_space<vmem>>
    %dma_start3A_52 = tpu.memref_slice %arg2[%add3A_46] : memref<2684354xf32, #tpu.memory_space<hbm>> -> memref<8192xf32, #tpu.memory_space<hbm>>
    tpu.enqueue_dma source(%dma_start3A_52 : memref<8192xf32, #tpu.memory_space<hbm>>) target(%dma_start3A_51 : memref<8192xf32, #tpu.memory_space<vmem>>) target_semaphore(%arg20 : memref<!tpu.dma_semaphore, #tpu.memory_space<semaphore_mem>>)
    %dma_start3A_53 = arith.constant 0 : i32
    %dma_start3A_54 = tpu.memref_slice %arg12[%dma_start3A_53] : memref<8192xf32, #tpu.memory_space<vmem>> -> memref<8192xf32, #tpu.memory_space<vmem>>
    %dma_start3A_55 = tpu.memref_slice %arg3[%add3A_46] : memref<2684354xf32, #tpu.memory_space<hbm>> -> memref<8192xf32, #tpu.memory_space<hbm>>
    %dma_start3A_56 = arith.constant 0 : i32
    %dma_start3A_57 = tpu.memref_slice %arg12[%dma_start3A_56] : memref<8192xf32, #tpu.memory_space<vmem>> -> memref<8192xf32, #tpu.memory_space<vmem>>
    %dma_start3A_58 = tpu.memref_slice %arg3[%add3A_46] : memref<2684354xf32, #tpu.memory_space<hbm>> -> memref<8192xf32, #tpu.memory_space<hbm>>
    tpu.enqueue_dma source(%dma_start3A_58 : memref<8192xf32, #tpu.memory_space<hbm>>) target(%dma_start3A_57 : memref<8192xf32, #tpu.memory_space<vmem>>) target_semaphore(%arg24 : memref<!tpu.dma_semaphore, #tpu.memory_space<semaphore_mem>>)
    %add3A_59 = arith.constant 0 : i32
    %add3A_60 = arith.addi %mul3A_2, %add3A_59 : i32
    %dma_wait3A = arith.constant 0 : i32
    %dma_wait3A_61 = tpu.memref_slice %arg5[%dma_wait3A] : memref<8192xf32, #tpu.memory_space<vmem>> -> memref<8192xf32, #tpu.memory_space<vmem>>
    %dma_wait3A_62 = tpu.memref_slice %arg2[%add3A_60] : memref<2684354xf32, #tpu.memory_space<hbm>> -> memref<8192xf32, #tpu.memory_space<hbm>>
    %dma_wait3A_63 = arith.constant 0 : i32
    %dma_wait3A_64 = tpu.memref_slice %arg5[%dma_wait3A_63] : memref<8192xf32, #tpu.memory_space<vmem>> -> memref<8192xf32, #tpu.memory_space<vmem>>
    %dma_wait3A_65 = tpu.memref_slice %arg2[%add3A_60] : memref<2684354xf32, #tpu.memory_space<hbm>> -> memref<8192xf32, #tpu.memory_space<hbm>>
    tpu.wait_dma2 semaphore(%arg17 : memref<!tpu.dma_semaphore, #tpu.memory_space<semaphore_mem>>) src(%dma_wait3A_65 : memref<8192xf32, #tpu.memory_space<hbm>>) dst(%dma_wait3A_64 : memref<8192xf32, #tpu.memory_space<vmem>>)
    %dma_wait3A_66 = arith.constant 0 : i32
    %dma_wait3A_67 = tpu.memref_slice %arg9[%dma_wait3A_66] : memref<8192xf32, #tpu.memory_space<vmem>> -> memref<8192xf32, #tpu.memory_space<vmem>>
    %dma_wait3A_68 = tpu.memref_slice %arg3[%add3A_60] : memref<2684354xf32, #tpu.memory_space<hbm>> -> memref<8192xf32, #tpu.memory_space<hbm>>
    %dma_wait3A_69 = arith.constant 0 : i32
    %dma_wait3A_70 = tpu.memref_slice %arg9[%dma_wait3A_69] : memref<8192xf32, #tpu.memory_space<vmem>> -> memref<8192xf32, #tpu.memory_space<vmem>>
    %dma_wait3A_71 = tpu.memref_slice %arg3[%add3A_60] : memref<2684354xf32, #tpu.memory_space<hbm>> -> memref<8192xf32, #tpu.memory_space<hbm>>
    tpu.wait_dma2 semaphore(%arg21 : memref<!tpu.dma_semaphore, #tpu.memory_space<semaphore_mem>>) src(%dma_wait3A_71 : memref<8192xf32, #tpu.memory_space<hbm>>) dst(%dma_wait3A_70 : memref<8192xf32, #tpu.memory_space<vmem>>)
    %add3A_72 = arith.constant 32768 : i32
    %add3A_73 = arith.addi %mul3A_2, %add3A_72 : i32
    %dma_start3A_74 = arith.constant 0 : i32
    %dma_start3A_75 = tpu.memref_slice %arg5[%dma_start3A_74] : memref<8192xf32, #tpu.memory_space<vmem>> -> memref<8192xf32, #tpu.memory_space<vmem>>
    %dma_start3A_76 = tpu.memref_slice %arg2[%add3A_73] : memref<2684354xf32, #tpu.memory_space<hbm>> -> memref<8192xf32, #tpu.memory_space<hbm>>
    %dma_start3A_77 = arith.constant 0 : i32
    %dma_start3A_78 = tpu.memref_slice %arg5[%dma_start3A_77] : memref<8192xf32, #tpu.memory_space<vmem>> -> memref<8192xf32, #tpu.memory_space<vmem>>
    %dma_start3A_79 = tpu.memref_slice %arg2[%add3A_73] : memref<2684354xf32, #tpu.memory_space<hbm>> -> memref<8192xf32, #tpu.memory_space<hbm>>
    tpu.enqueue_dma source(%dma_start3A_79 : memref<8192xf32, #tpu.memory_space<hbm>>) target(%dma_start3A_78 : memref<8192xf32, #tpu.memory_space<vmem>>) target_semaphore(%arg17 : memref<!tpu.dma_semaphore, #tpu.memory_space<semaphore_mem>>)
    %dma_start3A_80 = arith.constant 0 : i32
    %dma_start3A_81 = tpu.memref_slice %arg9[%dma_start3A_80] : memref<8192xf32, #tpu.memory_space<vmem>> -> memref<8192xf32, #tpu.memory_space<vmem>>
    %dma_start3A_82 = tpu.memref_slice %arg3[%add3A_73] : memref<2684354xf32, #tpu.memory_space<hbm>> -> memref<8192xf32, #tpu.memory_space<hbm>>
    %dma_start3A_83 = arith.constant 0 : i32
    %dma_start3A_84 = tpu.memref_slice %arg9[%dma_start3A_83] : memref<8192xf32, #tpu.memory_space<vmem>> -> memref<8192xf32, #tpu.memory_space<vmem>>
    %dma_start3A_85 = tpu.memref_slice %arg3[%add3A_73] : memref<2684354xf32, #tpu.memory_space<hbm>> -> memref<8192xf32, #tpu.memory_space<hbm>>
    tpu.enqueue_dma source(%dma_start3A_85 : memref<8192xf32, #tpu.memory_space<hbm>>) target(%dma_start3A_84 : memref<8192xf32, #tpu.memory_space<vmem>>) target_semaphore(%arg21 : memref<!tpu.dma_semaphore, #tpu.memory_space<semaphore_mem>>)
    %add3A_86 = arith.constant 8192 : i32
    %add3A_87 = arith.addi %mul3A_2, %add3A_86 : i32
    %dma_wait3A_88 = arith.constant 0 : i32
    %dma_wait3A_89 = tpu.memref_slice %arg6[%dma_wait3A_88] : memref<8192xf32, #tpu.memory_space<vmem>> -> memref<8192xf32, #tpu.memory_space<vmem>>
    %dma_wait3A_90 = tpu.memref_slice %arg2[%add3A_87] : memref<2684354xf32, #tpu.memory_space<hbm>> -> memref<8192xf32, #tpu.memory_space<hbm>>
    %dma_wait3A_91 = arith.constant 0 : i32
    %dma_wait3A_92 = tpu.memref_slice %arg6[%dma_wait3A_91] : memref<8192xf32, #tpu.memory_space<vmem>> -> memref<8192xf32, #tpu.memory_space<vmem>>
    %dma_wait3A_93 = tpu.memref_slice %arg2[%add3A_87] : memref<2684354xf32, #tpu.memory_space<hbm>> -> memref<8192xf32, #tpu.memory_space<hbm>>
    tpu.wait_dma2 semaphore(%arg18 : memref<!tpu.dma_semaphore, #tpu.memory_space<semaphore_mem>>) src(%dma_wait3A_93 : memref<8192xf32, #tpu.memory_space<hbm>>) dst(%dma_wait3A_92 : memref<8192xf32, #tpu.memory_space<vmem>>)
    %dma_wait3A_94 = arith.constant 0 : i32
    %dma_wait3A_95 = tpu.memref_slice %arg10[%dma_wait3A_94] : memref<8192xf32, #tpu.memory_space<vmem>> -> memref<8192xf32, #tpu.memory_space<vmem>>
    %dma_wait3A_96 = tpu.memref_slice %arg3[%add3A_87] : memref<2684354xf32, #tpu.memory_space<hbm>> -> memref<8192xf32, #tpu.memory_space<hbm>>
    %dma_wait3A_97 = arith.constant 0 : i32
    %dma_wait3A_98 = tpu.memref_slice %arg10[%dma_wait3A_97] : memref<8192xf32, #tpu.memory_space<vmem>> -> memref<8192xf32, #tpu.memory_space<vmem>>
    %dma_wait3A_99 = tpu.memref_slice %arg3[%add3A_87] : memref<2684354xf32, #tpu.memory_space<hbm>> -> memref<8192xf32, #tpu.memory_space<hbm>>
    tpu.wait_dma2 semaphore(%arg22 : memref<!tpu.dma_semaphore, #tpu.memory_space<semaphore_mem>>) src(%dma_wait3A_99 : memref<8192xf32, #tpu.memory_space<hbm>>) dst(%dma_wait3A_98 : memref<8192xf32, #tpu.memory_space<vmem>>)
    %add3A_100 = arith.constant 40960 : i32
    %add3A_101 = arith.addi %mul3A_2, %add3A_100 : i32
    %dma_start3A_102 = arith.constant 0 : i32
    %dma_start3A_103 = tpu.memref_slice %arg6[%dma_start3A_102] : memref<8192xf32, #tpu.memory_space<vmem>> -> memref<8192xf32, #tpu.memory_space<vmem>>
    %dma_start3A_104 = tpu.memref_slice %arg2[%add3A_101] : memref<2684354xf32, #tpu.memory_space<hbm>> -> memref<8192xf32, #tpu.memory_space<hbm>>
    %dma_start3A_105 = arith.constant 0 : i32
    %dma_start3A_106 = tpu.memref_slice %arg6[%dma_start3A_105] : memref<8192xf32, #tpu.memory_space<vmem>> -> memref<8192xf32, #tpu.memory_space<vmem>>
    %dma_start3A_107 = tpu.memref_slice %arg2[%add3A_101] : memref<2684354xf32, #tpu.memory_space<hbm>> -> memref<8192xf32, #tpu.memory_space<hbm>>
    tpu.enqueue_dma source(%dma_start3A_107 : memref<8192xf32, #tpu.memory_space<hbm>>) target(%dma_start3A_106 : memref<8192xf32, #tpu.memory_space<vmem>>) target_semaphore(%arg18 : memref<!tpu.dma_semaphore, #tpu.memory_space<semaphore_mem>>)
    %dma_start3A_108 = arith.constant 0 : i32
    %dma_start3A_109 = tpu.memref_slice %arg10[%dma_start3A_108] : memref<8192xf32, #tpu.memory_space<vmem>> -> memref<8192xf32, #tpu.memory_space<vmem>>
    %dma_start3A_110 = tpu.memref_slice %arg3[%add3A_101] : memref<2684354xf32, #tpu.memory_space<hbm>> -> memref<8192xf32, #tpu.memory_space<hbm>>
    %dma_start3A_111 = arith.constant 0 : i32
    %dma_start3A_112 = tpu.memref_slice %arg10[%dma_start3A_111] : memref<8192xf32, #tpu.memory_space<vmem>> -> memref<8192xf32, #tpu.memory_space<vmem>>
    %dma_start3A_113 = tpu.memref_slice %arg3[%add3A_101] : memref<2684354xf32, #tpu.memory_space<hbm>> -> memref<8192xf32, #tpu.memory_space<hbm>>
    tpu.enqueue_dma source(%dma_start3A_113 : memref<8192xf32, #tpu.memory_space<hbm>>) target(%dma_start3A_112 : memref<8192xf32, #tpu.memory_space<vmem>>) target_semaphore(%arg22 : memref<!tpu.dma_semaphore, #tpu.memory_space<semaphore_mem>>)
    %add3A_114 = arith.constant 16384 : i32
    %add3A_115 = arith.addi %mul3A_2, %add3A_114 : i32
    %dma_wait3A_116 = arith.constant 0 : i32
    %dma_wait3A_117 = tpu.memref_slice %arg7[%dma_wait3A_116] : memref<8192xf32, #tpu.memory_space<vmem>> -> memref<8192xf32, #tpu.memory_space<vmem>>
    %dma_wait3A_118 = tpu.memref_slice %arg2[%add3A_115] : memref<2684354xf32, #tpu.memory_space<hbm>> -> memref<8192xf32, #tpu.memory_space<hbm>>
    %dma_wait3A_119 = arith.constant 0 : i32
    %dma_wait3A_120 = tpu.memref_slice %arg7[%dma_wait3A_119] : memref<8192xf32, #tpu.memory_space<vmem>> -> memref<8192xf32, #tpu.memory_space<vmem>>
    %dma_wait3A_121 = tpu.memref_slice %arg2[%add3A_115] : memref<2684354xf32, #tpu.memory_space<hbm>> -> memref<8192xf32, #tpu.memory_space<hbm>>
    tpu.wait_dma2 semaphore(%arg19 : memref<!tpu.dma_semaphore, #tpu.memory_space<semaphore_mem>>) src(%dma_wait3A_121 : memref<8192xf32, #tpu.memory_space<hbm>>) dst(%dma_wait3A_120 : memref<8192xf32, #tpu.memory_space<vmem>>)
    %dma_wait3A_122 = arith.constant 0 : i32
    %dma_wait3A_123 = tpu.memref_slice %arg11[%dma_wait3A_122] : memref<8192xf32, #tpu.memory_space<vmem>> -> memref<8192xf32, #tpu.memory_space<vmem>>
    %dma_wait3A_124 = tpu.memref_slice %arg3[%add3A_115] : memref<2684354xf32, #tpu.memory_space<hbm>> -> memref<8192xf32, #tpu.memory_space<hbm>>
    %dma_wait3A_125 = arith.constant 0 : i32
    %dma_wait3A_126 = tpu.memref_slice %arg11[%dma_wait3A_125] : memref<8192xf32, #tpu.memory_space<vmem>> -> memref<8192xf32, #tpu.memory_space<vmem>>
    %dma_wait3A_127 = tpu.memref_slice %arg3[%add3A_115] : memref<2684354xf32, #tpu.memory_space<hbm>> -> memref<8192xf32, #tpu.memory_space<hbm>>
    tpu.wait_dma2 semaphore(%arg23 : memref<!tpu.dma_semaphore, #tpu.memory_space<semaphore_mem>>) src(%dma_wait3A_127 : memref<8192xf32, #tpu.memory_space<hbm>>) dst(%dma_wait3A_126 : memref<8192xf32, #tpu.memory_space<vmem>>)
    %add3A_128 = arith.constant 49152 : i32
    %add3A_129 = arith.addi %mul3A_2, %add3A_128 : i32
    %dma_start3A_130 = arith.constant 0 : i32
    %dma_start3A_131 = tpu.memref_slice %arg7[%dma_start3A_130] : memref<8192xf32, #tpu.memory_space<vmem>> -> memref<8192xf32, #tpu.memory_space<vmem>>
    %dma_start3A_132 = tpu.memref_slice %arg2[%add3A_129] : memref<2684354xf32, #tpu.memory_space<hbm>> -> memref<8192xf32, #tpu.memory_space<hbm>>
    %dma_start3A_133 = arith.constant 0 : i32
    %dma_start3A_134 = tpu.memref_slice %arg7[%dma_start3A_133] : memref<8192xf32, #tpu.memory_space<vmem>> -> memref<8192xf32, #tpu.memory_space<vmem>>
    %dma_start3A_135 = tpu.memref_slice %arg2[%add3A_129] : memref<2684354xf32, #tpu.memory_space<hbm>> -> memref<8192xf32, #tpu.memory_space<hbm>>
    tpu.enqueue_dma source(%dma_start3A_135 : memref<8192xf32, #tpu.memory_space<hbm>>) target(%dma_start3A_134 : memref<8192xf32, #tpu.memory_space<vmem>>) target_semaphore(%arg19 : memref<!tpu.dma_semaphore, #tpu.memory_space<semaphore_mem>>)
    %dma_start3A_136 = arith.constant 0 : i32
    %dma_start3A_137 = tpu.memref_slice %arg11[%dma_start3A_136] : memref<8192xf32, #tpu.memory_space<vmem>> -> memref<8192xf32, #tpu.memory_space<vmem>>
    %dma_start3A_138 = tpu.memref_slice %arg3[%add3A_129] : memref<2684354xf32, #tpu.memory_space<hbm>> -> memref<8192xf32, #tpu.memory_space<hbm>>
    %dma_start3A_139 = arith.constant 0 : i32
    %dma_start3A_140 = tpu.memref_slice %arg11[%dma_start3A_139] : memref<8192xf32, #tpu.memory_space<vmem>> -> memref<8192xf32, #tpu.memory_space<vmem>>
    %dma_start3A_141 = tpu.memref_slice %arg3[%add3A_129] : memref<2684354xf32, #tpu.memory_space<hbm>> -> memref<8192xf32, #tpu.memory_space<hbm>>
    tpu.enqueue_dma source(%dma_start3A_141 : memref<8192xf32, #tpu.memory_space<hbm>>) target(%dma_start3A_140 : memref<8192xf32, #tpu.memory_space<vmem>>) target_semaphore(%arg23 : memref<!tpu.dma_semaphore, #tpu.memory_space<semaphore_mem>>)
    %add3A_142 = arith.constant 24576 : i32
    %add3A_143 = arith.addi %mul3A_2, %add3A_142 : i32
    %dma_wait3A_144 = arith.constant 0 : i32
    %dma_wait3A_145 = tpu.memref_slice %arg8[%dma_wait3A_144] : memref<8192xf32, #tpu.memory_space<vmem>> -> memref<8192xf32, #tpu.memory_space<vmem>>
    %dma_wait3A_146 = tpu.memref_slice %arg2[%add3A_143] : memref<2684354xf32, #tpu.memory_space<hbm>> -> memref<8192xf32, #tpu.memory_space<hbm>>
    %dma_wait3A_147 = arith.constant 0 : i32
    %dma_wait3A_148 = tpu.memref_slice %arg8[%dma_wait3A_147] : memref<8192xf32, #tpu.memory_space<vmem>> -> memref<8192xf32, #tpu.memory_space<vmem>>
    %dma_wait3A_149 = tpu.memref_slice %arg2[%add3A_143] : memref<2684354xf32, #tpu.memory_space<hbm>> -> memref<8192xf32, #tpu.memory_space<hbm>>
    tpu.wait_dma2 semaphore(%arg20 : memref<!tpu.dma_semaphore, #tpu.memory_space<semaphore_mem>>) src(%dma_wait3A_149 : memref<8192xf32, #tpu.memory_space<hbm>>) dst(%dma_wait3A_148 : memref<8192xf32, #tpu.memory_space<vmem>>)
    %dma_wait3A_150 = arith.constant 0 : i32
    %dma_wait3A_151 = tpu.memref_slice %arg12[%dma_wait3A_150] : memref<8192xf32, #tpu.memory_space<vmem>> -> memref<8192xf32, #tpu.memory_space<vmem>>
    %dma_wait3A_152 = tpu.memref_slice %arg3[%add3A_143] : memref<2684354xf32, #tpu.memory_space<hbm>> -> memref<8192xf32, #tpu.memory_space<hbm>>
    %dma_wait3A_153 = arith.constant 0 : i32
    %dma_wait3A_154 = tpu.memref_slice %arg12[%dma_wait3A_153] : memref<8192xf32, #tpu.memory_space<vmem>> -> memref<8192xf32, #tpu.memory_space<vmem>>
    %dma_wait3A_155 = tpu.memref_slice %arg3[%add3A_143] : memref<2684354xf32, #tpu.memory_space<hbm>> -> memref<8192xf32, #tpu.memory_space<hbm>>
    tpu.wait_dma2 semaphore(%arg24 : memref<!tpu.dma_semaphore, #tpu.memory_space<semaphore_mem>>) src(%dma_wait3A_155 : memref<8192xf32, #tpu.memory_space<hbm>>) dst(%dma_wait3A_154 : memref<8192xf32, #tpu.memory_space<vmem>>)
    %add3A_156 = arith.constant 57344 : i32
    %add3A_157 = arith.addi %mul3A_2, %add3A_156 : i32
    %dma_start3A_158 = arith.constant 0 : i32
    %dma_start3A_159 = tpu.memref_slice %arg8[%dma_start3A_158] : memref<8192xf32, #tpu.memory_space<vmem>> -> memref<8192xf32, #tpu.memory_space<vmem>>
    %dma_start3A_160 = tpu.memref_slice %arg2[%add3A_157] : memref<2684354xf32, #tpu.memory_space<hbm>> -> memref<8192xf32, #tpu.memory_space<hbm>>
    %dma_start3A_161 = arith.constant 0 : i32
    %dma_start3A_162 = tpu.memref_slice %arg8[%dma_start3A_161] : memref<8192xf32, #tpu.memory_space<vmem>> -> memref<8192xf32, #tpu.memory_space<vmem>>
    %dma_start3A_163 = tpu.memref_slice %arg2[%add3A_157] : memref<2684354xf32, #tpu.memory_space<hbm>> -> memref<8192xf32, #tpu.memory_space<hbm>>
    tpu.enqueue_dma source(%dma_start3A_163 : memref<8192xf32, #tpu.memory_space<hbm>>) target(%dma_start3A_162 : memref<8192xf32, #tpu.memory_space<vmem>>) target_semaphore(%arg20 : memref<!tpu.dma_semaphore, #tpu.memory_space<semaphore_mem>>)
    %dma_start3A_164 = arith.constant 0 : i32
    %dma_start3A_165 = tpu.memref_slice %arg12[%dma_start3A_164] : memref<8192xf32, #tpu.memory_space<vmem>> -> memref<8192xf32, #tpu.memory_space<vmem>>
    %dma_start3A_166 = tpu.memref_slice %arg3[%add3A_157] : memref<2684354xf32, #tpu.memory_space<hbm>> -> memref<8192xf32, #tpu.memory_space<hbm>>
    %dma_start3A_167 = arith.constant 0 : i32
    %dma_start3A_168 = tpu.memref_slice %arg12[%dma_start3A_167] : memref<8192xf32, #tpu.memory_space<vmem>> -> memref<8192xf32, #tpu.memory_space<vmem>>
    %dma_start3A_169 = tpu.memref_slice %arg3[%add3A_157] : memref<2684354xf32, #tpu.memory_space<hbm>> -> memref<8192xf32, #tpu.memory_space<hbm>>
    tpu.enqueue_dma source(%dma_start3A_169 : memref<8192xf32, #tpu.memory_space<hbm>>) target(%dma_start3A_168 : memref<8192xf32, #tpu.memory_space<vmem>>) target_semaphore(%arg24 : memref<!tpu.dma_semaphore, #tpu.memory_space<semaphore_mem>>)
    %add3A_170 = arith.constant 32768 : i32
    %add3A_171 = arith.addi %mul3A_2, %add3A_170 : i32
    %dma_wait3A_172 = arith.constant 0 : i32
    %dma_wait3A_173 = tpu.memref_slice %arg5[%dma_wait3A_172] : memref<8192xf32, #tpu.memory_space<vmem>> -> memref<8192xf32, #tpu.memory_space<vmem>>
    %dma_wait3A_174 = tpu.memref_slice %arg2[%add3A_171] : memref<2684354xf32, #tpu.memory_space<hbm>> -> memref<8192xf32, #tpu.memory_space<hbm>>
    %dma_wait3A_175 = arith.constant 0 : i32
    %dma_wait3A_176 = tpu.memref_slice %arg5[%dma_wait3A_175] : memref<8192xf32, #tpu.memory_space<vmem>> -> memref<8192xf32, #tpu.memory_space<vmem>>
    %dma_wait3A_177 = tpu.memref_slice %arg2[%add3A_171] : memref<2684354xf32, #tpu.memory_space<hbm>> -> memref<8192xf32, #tpu.memory_space<hbm>>
    tpu.wait_dma2 semaphore(%arg17 : memref<!tpu.dma_semaphore, #tpu.memory_space<semaphore_mem>>) src(%dma_wait3A_177 : memref<8192xf32, #tpu.memory_space<hbm>>) dst(%dma_wait3A_176 : memref<8192xf32, #tpu.memory_space<vmem>>)
    %dma_wait3A_178 = arith.constant 0 : i32
    %dma_wait3A_179 = tpu.memref_slice %arg9[%dma_wait3A_178] : memref<8192xf32, #tpu.memory_space<vmem>> -> memref<8192xf32, #tpu.memory_space<vmem>>
    %dma_wait3A_180 = tpu.memref_slice %arg3[%add3A_171] : memref<2684354xf32, #tpu.memory_space<hbm>> -> memref<8192xf32, #tpu.memory_space<hbm>>
    %dma_wait3A_181 = arith.constant 0 : i32
    %dma_wait3A_182 = tpu.memref_slice %arg9[%dma_wait3A_181] : memref<8192xf32, #tpu.memory_space<vmem>> -> memref<8192xf32, #tpu.memory_space<vmem>>
    %dma_wait3A_183 = tpu.memref_slice %arg3[%add3A_171] : memref<2684354xf32, #tpu.memory_space<hbm>> -> memref<8192xf32, #tpu.memory_space<hbm>>
    tpu.wait_dma2 semaphore(%arg21 : memref<!tpu.dma_semaphore, #tpu.memory_space<semaphore_mem>>) src(%dma_wait3A_183 : memref<8192xf32, #tpu.memory_space<hbm>>) dst(%dma_wait3A_182 : memref<8192xf32, #tpu.memory_space<vmem>>)
    %add3A_184 = arith.constant 65536 : i32
    %add3A_185 = arith.addi %mul3A_2, %add3A_184 : i32
    %dma_start3A_186 = arith.constant 0 : i32
    %dma_start3A_187 = tpu.memref_slice %arg5[%dma_start3A_186] : memref<8192xf32, #tpu.memory_space<vmem>> -> memref<8192xf32, #tpu.memory_space<vmem>>
    %dma_start3A_188 = tpu.memref_slice %arg2[%add3A_185] : memref<2684354xf32, #tpu.memory_space<hbm>> -> memref<8192xf32, #tpu.memory_space<hbm>>
    %dma_start3A_189 = arith.constant 0 : i32
    %dma_start3A_190 = tpu.memref_slice %arg5[%dma_start3A_189] : memref<8192xf32, #tpu.memory_space<vmem>> -> memref<8192xf32, #tpu.memory_space<vmem>>
    %dma_start3A_191 = tpu.memref_slice %arg2[%add3A_185] : memref<2684354xf32, #tpu.memory_space<hbm>> -> memref<8192xf32, #tpu.memory_space<hbm>>
    tpu.enqueue_dma source(%dma_start3A_191 : memref<8192xf32, #tpu.memory_space<hbm>>) target(%dma_start3A_190 : memref<8192xf32, #tpu.memory_space<vmem>>) target_semaphore(%arg17 : memref<!tpu.dma_semaphore, #tpu.memory_space<semaphore_mem>>)
    %dma_start3A_192 = arith.constant 0 : i32
    %dma_start3A_193 = tpu.memref_slice %arg9[%dma_start3A_192] : memref<8192xf32, #tpu.memory_space<vmem>> -> memref<8192xf32, #tpu.memory_space<vmem>>
    %dma_start3A_194 = tpu.memref_slice %arg3[%add3A_185] : memref<2684354xf32, #tpu.memory_space<hbm>> -> memref<8192xf32, #tpu.memory_space<hbm>>
    %dma_start3A_195 = arith.constant 0 : i32
    %dma_start3A_196 = tpu.memref_slice %arg9[%dma_start3A_195] : memref<8192xf32, #tpu.memory_space<vmem>> -> memref<8192xf32, #tpu.memory_space<vmem>>
    %dma_start3A_197 = tpu.memref_slice %arg3[%add3A_185] : memref<2684354xf32, #tpu.memory_space<hbm>> -> memref<8192xf32, #tpu.memory_space<hbm>>
    tpu.enqueue_dma source(%dma_start3A_197 : memref<8192xf32, #tpu.memory_space<hbm>>) target(%dma_start3A_196 : memref<8192xf32, #tpu.memory_space<vmem>>) target_semaphore(%arg21 : memref<!tpu.dma_semaphore, #tpu.memory_space<semaphore_mem>>)
    %add3A_198 = arith.constant 40960 : i32
    %add3A_199 = arith.addi %mul3A_2, %add3A_198 : i32
    %dma_wait3A_200 = arith.constant 0 : i32
    %dma_wait3A_201 = tpu.memref_slice %arg6[%dma_wait3A_200] : memref<8192xf32, #tpu.memory_space<vmem>> -> memref<8192xf32, #tpu.memory_space<vmem>>
    %dma_wait3A_202 = tpu.memref_slice %arg2[%add3A_199] : memref<2684354xf32, #tpu.memory_space<hbm>> -> memref<8192xf32, #tpu.memory_space<hbm>>
    %dma_wait3A_203 = arith.constant 0 : i32
    %dma_wait3A_204 = tpu.memref_slice %arg6[%dma_wait3A_203] : memref<8192xf32, #tpu.memory_space<vmem>> -> memref<8192xf32, #tpu.memory_space<vmem>>
    %dma_wait3A_205 = tpu.memref_slice %arg2[%add3A_199] : memref<2684354xf32, #tpu.memory_space<hbm>> -> memref<8192xf32, #tpu.memory_space<hbm>>
    tpu.wait_dma2 semaphore(%arg18 : memref<!tpu.dma_semaphore, #tpu.memory_space<semaphore_mem>>) src(%dma_wait3A_205 : memref<8192xf32, #tpu.memory_space<hbm>>) dst(%dma_wait3A_204 : memref<8192xf32, #tpu.memory_space<vmem>>)
    %dma_wait3A_206 = arith.constant 0 : i32
    %dma_wait3A_207 = tpu.memref_slice %arg10[%dma_wait3A_206] : memref<8192xf32, #tpu.memory_space<vmem>> -> memref<8192xf32, #tpu.memory_space<vmem>>
    %dma_wait3A_208 = tpu.memref_slice %arg3[%add3A_199] : memref<2684354xf32, #tpu.memory_space<hbm>> -> memref<8192xf32, #tpu.memory_space<hbm>>
    %dma_wait3A_209 = arith.constant 0 : i32
    %dma_wait3A_210 = tpu.memref_slice %arg10[%dma_wait3A_209] : memref<8192xf32, #tpu.memory_space<vmem>> -> memref<8192xf32, #tpu.memory_space<vmem>>
    %dma_wait3A_211 = tpu.memref_slice %arg3[%add3A_199] : memref<2684354xf32, #tpu.memory_space<hbm>> -> memref<8192xf32, #tpu.memory_space<hbm>>
    tpu.wait_dma2 semaphore(%arg22 : memref<!tpu.dma_semaphore, #tpu.memory_space<semaphore_mem>>) src(%dma_wait3A_211 : memref<8192xf32, #tpu.memory_space<hbm>>) dst(%dma_wait3A_210 : memref<8192xf32, #tpu.memory_space<vmem>>)
    %add3A_212 = arith.constant 73728 : i32
    %add3A_213 = arith.addi %mul3A_2, %add3A_212 : i32
    %dma_start3A_214 = arith.constant 0 : i32
    %dma_start3A_215 = tpu.memref_slice %arg6[%dma_start3A_214] : memref<8192xf32, #tpu.memory_space<vmem>> -> memref<8192xf32, #tpu.memory_space<vmem>>
    %dma_start3A_216 = tpu.memref_slice %arg2[%add3A_213] : memref<2684354xf32, #tpu.memory_space<hbm>> -> memref<8192xf32, #tpu.memory_space<hbm>>
    %dma_start3A_217 = arith.constant 0 : i32
    %dma_start3A_218 = tpu.memref_slice %arg6[%dma_start3A_217] : memref<8192xf32, #tpu.memory_space<vmem>> -> memref<8192xf32, #tpu.memory_space<vmem>>
    %dma_start3A_219 = tpu.memref_slice %arg2[%add3A_213] : memref<2684354xf32, #tpu.memory_space<hbm>> -> memref<8192xf32, #tpu.memory_space<hbm>>
    tpu.enqueue_dma source(%dma_start3A_219 : memref<8192xf32, #tpu.memory_space<hbm>>) target(%dma_start3A_218 : memref<8192xf32, #tpu.memory_space<vmem>>) target_semaphore(%arg18 : memref<!tpu.dma_semaphore, #tpu.memory_space<semaphore_mem>>)
    %dma_start3A_220 = arith.constant 0 : i32
    %dma_start3A_221 = tpu.memref_slice %arg10[%dma_start3A_220] : memref<8192xf32, #tpu.memory_space<vmem>> -> memref<8192xf32, #tpu.memory_space<vmem>>
    %dma_start3A_222 = tpu.memref_slice %arg3[%add3A_213] : memref<2684354xf32, #tpu.memory_space<hbm>> -> memref<8192xf32, #tpu.memory_space<hbm>>
    %dma_start3A_223 = arith.constant 0 : i32
    %dma_start3A_224 = tpu.memref_slice %arg10[%dma_start3A_223] : memref<8192xf32, #tpu.memory_space<vmem>> -> memref<8192xf32, #tpu.memory_space<vmem>>
    %dma_start3A_225 = tpu.memref_slice %arg3[%add3A_213] : memref<2684354xf32, #tpu.memory_space<hbm>> -> memref<8192xf32, #tpu.memory_space<hbm>>
    tpu.enqueue_dma source(%dma_start3A_225 : memref<8192xf32, #tpu.memory_space<hbm>>) target(%dma_start3A_224 : memref<8192xf32, #tpu.memory_space<vmem>>) target_semaphore(%arg22 : memref<!tpu.dma_semaphore, #tpu.memory_space<semaphore_mem>>)
    %add3A_226 = arith.constant 49152 : i32
    %add3A_227 = arith.addi %mul3A_2, %add3A_226 : i32
    %dma_wait3A_228 = arith.constant 0 : i32
    %dma_wait3A_229 = tpu.memref_slice %arg7[%dma_wait3A_228] : memref<8192xf32, #tpu.memory_space<vmem>> -> memref<8192xf32, #tpu.memory_space<vmem>>
    %dma_wait3A_230 = tpu.memref_slice %arg2[%add3A_227] : memref<2684354xf32, #tpu.memory_space<hbm>> -> memref<8192xf32, #tpu.memory_space<hbm>>
    %dma_wait3A_231 = arith.constant 0 : i32
    %dma_wait3A_232 = tpu.memref_slice %arg7[%dma_wait3A_231] : memref<8192xf32, #tpu.memory_space<vmem>> -> memref<8192xf32, #tpu.memory_space<vmem>>
    %dma_wait3A_233 = tpu.memref_slice %arg2[%add3A_227] : memref<2684354xf32, #tpu.memory_space<hbm>> -> memref<8192xf32, #tpu.memory_space<hbm>>
    tpu.wait_dma2 semaphore(%arg19 : memref<!tpu.dma_semaphore, #tpu.memory_space<semaphore_mem>>) src(%dma_wait3A_233 : memref<8192xf32, #tpu.memory_space<hbm>>) dst(%dma_wait3A_232 : memref<8192xf32, #tpu.memory_space<vmem>>)
    %dma_wait3A_234 = arith.constant 0 : i32
    %dma_wait3A_235 = tpu.memref_slice %arg11[%dma_wait3A_234] : memref<8192xf32, #tpu.memory_space<vmem>> -> memref<8192xf32, #tpu.memory_space<vmem>>
    %dma_wait3A_236 = tpu.memref_slice %arg3[%add3A_227] : memref<2684354xf32, #tpu.memory_space<hbm>> -> memref<8192xf32, #tpu.memory_space<hbm>>
    %dma_wait3A_237 = arith.constant 0 : i32
    %dma_wait3A_238 = tpu.memref_slice %arg11[%dma_wait3A_237] : memref<8192xf32, #tpu.memory_space<vmem>> -> memref<8192xf32, #tpu.memory_space<vmem>>
    %dma_wait3A_239 = tpu.memref_slice %arg3[%add3A_227] : memref<2684354xf32, #tpu.memory_space<hbm>> -> memref<8192xf32, #tpu.memory_space<hbm>>
    tpu.wait_dma2 semaphore(%arg23 : memref<!tpu.dma_semaphore, #tpu.memory_space<semaphore_mem>>) src(%dma_wait3A_239 : memref<8192xf32, #tpu.memory_space<hbm>>) dst(%dma_wait3A_238 : memref<8192xf32, #tpu.memory_space<vmem>>)
    %not3A = arith.constant true
    %not3A_240 = arith.xori %eq3A_3, %not3A : i1
    %convert_element_type3A = arith.extui %not3A_240 : i1 to i32
    %cond3A = arith.constant 0 : i32
    %cond3A_241 = arith.cmpi ne, %convert_element_type3A, %cond3A : i32
    scf.if %cond3A_241 {
      %add3A_295 = arith.constant 81920 : i32
      %add3A_296 = arith.addi %mul3A_2, %add3A_295 : i32
      %dma_start3A_297 = arith.constant 0 : i32
      %dma_start3A_298 = tpu.memref_slice %arg7[%dma_start3A_297] : memref<8192xf32, #tpu.memory_space<vmem>> -> memref<1968xf32, #tpu.memory_space<vmem>>
      %dma_start3A_299 = tpu.memref_slice %arg2[%add3A_296] : memref<2684354xf32, #tpu.memory_space<hbm>> -> memref<1968xf32, #tpu.memory_space<hbm>>
      %dma_start3A_300 = arith.constant 0 : i32
      %dma_start3A_301 = tpu.memref_slice %arg7[%dma_start3A_300] : memref<8192xf32, #tpu.memory_space<vmem>> -> memref<1968xf32, #tpu.memory_space<vmem>>
      %dma_start3A_302 = tpu.memref_slice %arg2[%add3A_296] : memref<2684354xf32, #tpu.memory_space<hbm>> -> memref<1968xf32, #tpu.memory_space<hbm>>
      tpu.enqueue_dma source(%dma_start3A_302 : memref<1968xf32, #tpu.memory_space<hbm>>) target(%dma_start3A_301 : memref<1968xf32, #tpu.memory_space<vmem>>) target_semaphore(%arg19 : memref<!tpu.dma_semaphore, #tpu.memory_space<semaphore_mem>>)
      %dma_start3A_303 = arith.constant 0 : i32
      %dma_start3A_304 = tpu.memref_slice %arg11[%dma_start3A_303] : memref<8192xf32, #tpu.memory_space<vmem>> -> memref<1968xf32, #tpu.memory_space<vmem>>
      %dma_start3A_305 = tpu.memref_slice %arg3[%add3A_296] : memref<2684354xf32, #tpu.memory_space<hbm>> -> memref<1968xf32, #tpu.memory_space<hbm>>
      %dma_start3A_306 = arith.constant 0 : i32
      %dma_start3A_307 = tpu.memref_slice %arg11[%dma_start3A_306] : memref<8192xf32, #tpu.memory_space<vmem>> -> memref<1968xf32, #tpu.memory_space<vmem>>
      %dma_start3A_308 = tpu.memref_slice %arg3[%add3A_296] : memref<2684354xf32, #tpu.memory_space<hbm>> -> memref<1968xf32, #tpu.memory_space<hbm>>
      tpu.enqueue_dma source(%dma_start3A_308 : memref<1968xf32, #tpu.memory_space<hbm>>) target(%dma_start3A_307 : memref<1968xf32, #tpu.memory_space<vmem>>) target_semaphore(%arg23 : memref<!tpu.dma_semaphore, #tpu.memory_space<semaphore_mem>>)
    } else {
    }
    %convert_element_type3A_242 = arith.extui %eq3A_3 : i1 to i32
    %cond3A_243 = arith.constant 0 : i32
    %cond3A_244 = arith.cmpi ne, %convert_element_type3A_242, %cond3A_243 : i32
    scf.if %cond3A_244 {
      %add3A_295 = arith.constant 81920 : i32
      %add3A_296 = arith.addi %mul3A_2, %add3A_295 : i32
      %dma_start3A_297 = arith.constant 0 : i32
      %dma_start3A_298 = tpu.memref_slice %arg7[%dma_start3A_297] : memref<8192xf32, #tpu.memory_space<vmem>> -> memref<1906xf32, #tpu.memory_space<vmem>>
      %dma_start3A_299 = tpu.memref_slice %arg2[%add3A_296] : memref<2684354xf32, #tpu.memory_space<hbm>> -> memref<1906xf32, #tpu.memory_space<hbm>>
      %dma_start3A_300 = arith.constant 0 : i32
      %dma_start3A_301 = tpu.memref_slice %arg7[%dma_start3A_300] : memref<8192xf32, #tpu.memory_space<vmem>> -> memref<1906xf32, #tpu.memory_space<vmem>>
      %dma_start3A_302 = tpu.memref_slice %arg2[%add3A_296] : memref<2684354xf32, #tpu.memory_space<hbm>> -> memref<1906xf32, #tpu.memory_space<hbm>>
      tpu.enqueue_dma source(%dma_start3A_302 : memref<1906xf32, #tpu.memory_space<hbm>>) target(%dma_start3A_301 : memref<1906xf32, #tpu.memory_space<vmem>>) target_semaphore(%arg19 : memref<!tpu.dma_semaphore, #tpu.memory_space<semaphore_mem>>)
      %dma_start3A_303 = arith.constant 0 : i32
      %dma_start3A_304 = tpu.memref_slice %arg11[%dma_start3A_303] : memref<8192xf32, #tpu.memory_space<vmem>> -> memref<1906xf32, #tpu.memory_space<vmem>>
      %dma_start3A_305 = tpu.memref_slice %arg3[%add3A_296] : memref<2684354xf32, #tpu.memory_space<hbm>> -> memref<1906xf32, #tpu.memory_space<hbm>>
      %dma_start3A_306 = arith.constant 0 : i32
      %dma_start3A_307 = tpu.memref_slice %arg11[%dma_start3A_306] : memref<8192xf32, #tpu.memory_space<vmem>> -> memref<1906xf32, #tpu.memory_space<vmem>>
      %dma_start3A_308 = tpu.memref_slice %arg3[%add3A_296] : memref<2684354xf32, #tpu.memory_space<hbm>> -> memref<1906xf32, #tpu.memory_space<hbm>>
      tpu.enqueue_dma source(%dma_start3A_308 : memref<1906xf32, #tpu.memory_space<hbm>>) target(%dma_start3A_307 : memref<1906xf32, #tpu.memory_space<vmem>>) target_semaphore(%arg23 : memref<!tpu.dma_semaphore, #tpu.memory_space<semaphore_mem>>)
    } else {
    }
    %add3A_245 = arith.constant 57344 : i32
    %add3A_246 = arith.addi %mul3A_2, %add3A_245 : i32
    %dma_wait3A_247 = arith.constant 0 : i32
    %dma_wait3A_248 = tpu.memref_slice %arg8[%dma_wait3A_247] : memref<8192xf32, #tpu.memory_space<vmem>> -> memref<8192xf32, #tpu.memory_space<vmem>>
    %dma_wait3A_249 = tpu.memref_slice %arg2[%add3A_246] : memref<2684354xf32, #tpu.memory_space<hbm>> -> memref<8192xf32, #tpu.memory_space<hbm>>
    %dma_wait3A_250 = arith.constant 0 : i32
    %dma_wait3A_251 = tpu.memref_slice %arg8[%dma_wait3A_250] : memref<8192xf32, #tpu.memory_space<vmem>> -> memref<8192xf32, #tpu.memory_space<vmem>>
    %dma_wait3A_252 = tpu.memref_slice %arg2[%add3A_246] : memref<2684354xf32, #tpu.memory_space<hbm>> -> memref<8192xf32, #tpu.memory_space<hbm>>
    tpu.wait_dma2 semaphore(%arg20 : memref<!tpu.dma_semaphore, #tpu.memory_space<semaphore_mem>>) src(%dma_wait3A_252 : memref<8192xf32, #tpu.memory_space<hbm>>) dst(%dma_wait3A_251 : memref<8192xf32, #tpu.memory_space<vmem>>)
    %dma_wait3A_253 = arith.constant 0 : i32
    %dma_wait3A_254 = tpu.memref_slice %arg12[%dma_wait3A_253] : memref<8192xf32, #tpu.memory_space<vmem>> -> memref<8192xf32, #tpu.memory_space<vmem>>
    %dma_wait3A_255 = tpu.memref_slice %arg3[%add3A_246] : memref<2684354xf32, #tpu.memory_space<hbm>> -> memref<8192xf32, #tpu.memory_space<hbm>>
    %dma_wait3A_256 = arith.constant 0 : i32
    %dma_wait3A_257 = tpu.memref_slice %arg12[%dma_wait3A_256] : memref<8192xf32, #tpu.memory_space<vmem>> -> memref<8192xf32, #tpu.memory_space<vmem>>
    %dma_wait3A_258 = tpu.memref_slice %arg3[%add3A_246] : memref<2684354xf32, #tpu.memory_space<hbm>> -> memref<8192xf32, #tpu.memory_space<hbm>>
    tpu.wait_dma2 semaphore(%arg24 : memref<!tpu.dma_semaphore, #tpu.memory_space<semaphore_mem>>) src(%dma_wait3A_258 : memref<8192xf32, #tpu.memory_space<hbm>>) dst(%dma_wait3A_257 : memref<8192xf32, #tpu.memory_space<vmem>>)
    %add3A_259 = arith.constant 65536 : i32
    %add3A_260 = arith.addi %mul3A_2, %add3A_259 : i32
    %dma_wait3A_261 = arith.constant 0 : i32
    %dma_wait3A_262 = tpu.memref_slice %arg5[%dma_wait3A_261] : memref<8192xf32, #tpu.memory_space<vmem>> -> memref<8192xf32, #tpu.memory_space<vmem>>
    %dma_wait3A_263 = tpu.memref_slice %arg2[%add3A_260] : memref<2684354xf32, #tpu.memory_space<hbm>> -> memref<8192xf32, #tpu.memory_space<hbm>>
    %dma_wait3A_264 = arith.constant 0 : i32
    %dma_wait3A_265 = tpu.memref_slice %arg5[%dma_wait3A_264] : memref<8192xf32, #tpu.memory_space<vmem>> -> memref<8192xf32, #tpu.memory_space<vmem>>
    %dma_wait3A_266 = tpu.memref_slice %arg2[%add3A_260] : memref<2684354xf32, #tpu.memory_space<hbm>> -> memref<8192xf32, #tpu.memory_space<hbm>>
    tpu.wait_dma2 semaphore(%arg17 : memref<!tpu.dma_semaphore, #tpu.memory_space<semaphore_mem>>) src(%dma_wait3A_266 : memref<8192xf32, #tpu.memory_space<hbm>>) dst(%dma_wait3A_265 : memref<8192xf32, #tpu.memory_space<vmem>>)
    %dma_wait3A_267 = arith.constant 0 : i32
    %dma_wait3A_268 = tpu.memref_slice %arg9[%dma_wait3A_267] : memref<8192xf32, #tpu.memory_space<vmem>> -> memref<8192xf32, #tpu.memory_space<vmem>>
    %dma_wait3A_269 = tpu.memref_slice %arg3[%add3A_260] : memref<2684354xf32, #tpu.memory_space<hbm>> -> memref<8192xf32, #tpu.memory_space<hbm>>
    %dma_wait3A_270 = arith.constant 0 : i32
    %dma_wait3A_271 = tpu.memref_slice %arg9[%dma_wait3A_270] : memref<8192xf32, #tpu.memory_space<vmem>> -> memref<8192xf32, #tpu.memory_space<vmem>>
    %dma_wait3A_272 = tpu.memref_slice %arg3[%add3A_260] : memref<2684354xf32, #tpu.memory_space<hbm>> -> memref<8192xf32, #tpu.memory_space<hbm>>
    tpu.wait_dma2 semaphore(%arg21 : memref<!tpu.dma_semaphore, #tpu.memory_space<semaphore_mem>>) src(%dma_wait3A_272 : memref<8192xf32, #tpu.memory_space<hbm>>) dst(%dma_wait3A_271 : memref<8192xf32, #tpu.memory_space<vmem>>)
    %add3A_273 = arith.constant 73728 : i32
    %add3A_274 = arith.addi %mul3A_2, %add3A_273 : i32
    %dma_wait3A_275 = arith.constant 0 : i32
    %dma_wait3A_276 = tpu.memref_slice %arg6[%dma_wait3A_275] : memref<8192xf32, #tpu.memory_space<vmem>> -> memref<8192xf32, #tpu.memory_space<vmem>>
    %dma_wait3A_277 = tpu.memref_slice %arg2[%add3A_274] : memref<2684354xf32, #tpu.memory_space<hbm>> -> memref<8192xf32, #tpu.memory_space<hbm>>
    %dma_wait3A_278 = arith.constant 0 : i32
    %dma_wait3A_279 = tpu.memref_slice %arg6[%dma_wait3A_278] : memref<8192xf32, #tpu.memory_space<vmem>> -> memref<8192xf32, #tpu.memory_space<vmem>>
    %dma_wait3A_280 = tpu.memref_slice %arg2[%add3A_274] : memref<2684354xf32, #tpu.memory_space<hbm>> -> memref<8192xf32, #tpu.memory_space<hbm>>
    tpu.wait_dma2 semaphore(%arg18 : memref<!tpu.dma_semaphore, #tpu.memory_space<semaphore_mem>>) src(%dma_wait3A_280 : memref<8192xf32, #tpu.memory_space<hbm>>) dst(%dma_wait3A_279 : memref<8192xf32, #tpu.memory_space<vmem>>)
    %dma_wait3A_281 = arith.constant 0 : i32
    %dma_wait3A_282 = tpu.memref_slice %arg10[%dma_wait3A_281] : memref<8192xf32, #tpu.memory_space<vmem>> -> memref<8192xf32, #tpu.memory_space<vmem>>
    %dma_wait3A_283 = tpu.memref_slice %arg3[%add3A_274] : memref<2684354xf32, #tpu.memory_space<hbm>> -> memref<8192xf32, #tpu.memory_space<hbm>>
    %dma_wait3A_284 = arith.constant 0 : i32
    %dma_wait3A_285 = tpu.memref_slice %arg10[%dma_wait3A_284] : memref<8192xf32, #tpu.memory_space<vmem>> -> memref<8192xf32, #tpu.memory_space<vmem>>
    %dma_wait3A_286 = tpu.memref_slice %arg3[%add3A_274] : memref<2684354xf32, #tpu.memory_space<hbm>> -> memref<8192xf32, #tpu.memory_space<hbm>>
    tpu.wait_dma2 semaphore(%arg22 : memref<!tpu.dma_semaphore, #tpu.memory_space<semaphore_mem>>) src(%dma_wait3A_286 : memref<8192xf32, #tpu.memory_space<hbm>>) dst(%dma_wait3A_285 : memref<8192xf32, #tpu.memory_space<vmem>>)
    %not3A_287 = arith.constant true
    %not3A_288 = arith.xori %eq3A_3, %not3A_287 : i1
    %convert_element_type3A_289 = arith.extui %not3A_288 : i1 to i32
    %cond3A_290 = arith.constant 0 : i32
    %cond3A_291 = arith.cmpi ne, %convert_element_type3A_289, %cond3A_290 : i32
    scf.if %cond3A_291 {
      %add3A_295 = arith.constant 81920 : i32
      %add3A_296 = arith.addi %mul3A_2, %add3A_295 : i32
      %dma_wait3A_297 = arith.constant 0 : i32
      %dma_wait3A_298 = tpu.memref_slice %arg7[%dma_wait3A_297] : memref<8192xf32, #tpu.memory_space<vmem>> -> memref<1968xf32, #tpu.memory_space<vmem>>
      %dma_wait3A_299 = tpu.memref_slice %arg2[%add3A_296] : memref<2684354xf32, #tpu.memory_space<hbm>> -> memref<1968xf32, #tpu.memory_space<hbm>>
      %dma_wait3A_300 = arith.constant 0 : i32
      %dma_wait3A_301 = tpu.memref_slice %arg7[%dma_wait3A_300] : memref<8192xf32, #tpu.memory_space<vmem>> -> memref<1968xf32, #tpu.memory_space<vmem>>
      %dma_wait3A_302 = tpu.memref_slice %arg2[%add3A_296] : memref<2684354xf32, #tpu.memory_space<hbm>> -> memref<1968xf32, #tpu.memory_space<hbm>>
      tpu.wait_dma2 semaphore(%arg19 : memref<!tpu.dma_semaphore, #tpu.memory_space<semaphore_mem>>) src(%dma_wait3A_302 : memref<1968xf32, #tpu.memory_space<hbm>>) dst(%dma_wait3A_301 : memref<1968xf32, #tpu.memory_space<vmem>>)
      %dma_wait3A_303 = arith.constant 0 : i32
      %dma_wait3A_304 = tpu.memref_slice %arg11[%dma_wait3A_303] : memref<8192xf32, #tpu.memory_space<vmem>> -> memref<1968xf32, #tpu.memory_space<vmem>>
      %dma_wait3A_305 = tpu.memref_slice %arg3[%add3A_296] : memref<2684354xf32, #tpu.memory_space<hbm>> -> memref<1968xf32, #tpu.memory_space<hbm>>
      %dma_wait3A_306 = arith.constant 0 : i32
      %dma_wait3A_307 = tpu.memref_slice %arg11[%dma_wait3A_306] : memref<8192xf32, #tpu.memory_space<vmem>> -> memref<1968xf32, #tpu.memory_space<vmem>>
      %dma_wait3A_308 = tpu.memref_slice %arg3[%add3A_296] : memref<2684354xf32, #tpu.memory_space<hbm>> -> memref<1968xf32, #tpu.memory_space<hbm>>
      tpu.wait_dma2 semaphore(%arg23 : memref<!tpu.dma_semaphore, #tpu.memory_space<semaphore_mem>>) src(%dma_wait3A_308 : memref<1968xf32, #tpu.memory_space<hbm>>) dst(%dma_wait3A_307 : memref<1968xf32, #tpu.memory_space<vmem>>)
    } else {
    }
    %convert_element_type3A_292 = arith.extui %eq3A_3 : i1 to i32
    %cond3A_293 = arith.constant 0 : i32
    %cond3A_294 = arith.cmpi ne, %convert_element_type3A_292, %cond3A_293 : i32
    scf.if %cond3A_294 {
      %add3A_295 = arith.constant 81920 : i32
      %add3A_296 = arith.addi %mul3A_2, %add3A_295 : i32
      %dma_wait3A_297 = arith.constant 0 : i32
      %dma_wait3A_298 = tpu.memref_slice %arg7[%dma_wait3A_297] : memref<8192xf32, #tpu.memory_space<vmem>> -> memref<1906xf32, #tpu.memory_space<vmem>>
      %dma_wait3A_299 = tpu.memref_slice %arg2[%add3A_296] : memref<2684354xf32, #tpu.memory_space<hbm>> -> memref<1906xf32, #tpu.memory_space<hbm>>
      %dma_wait3A_300 = arith.constant 0 : i32
      %dma_wait3A_301 = tpu.memref_slice %arg7[%dma_wait3A_300] : memref<8192xf32, #tpu.memory_space<vmem>> -> memref<1906xf32, #tpu.memory_space<vmem>>
      %dma_wait3A_302 = tpu.memref_slice %arg2[%add3A_296] : memref<2684354xf32, #tpu.memory_space<hbm>> -> memref<1906xf32, #tpu.memory_space<hbm>>
      tpu.wait_dma2 semaphore(%arg19 : memref<!tpu.dma_semaphore, #tpu.memory_space<semaphore_mem>>) src(%dma_wait3A_302 : memref<1906xf32, #tpu.memory_space<hbm>>) dst(%dma_wait3A_301 : memref<1906xf32, #tpu.memory_space<vmem>>)
      %dma_wait3A_303 = arith.constant 0 : i32
      %dma_wait3A_304 = tpu.memref_slice %arg11[%dma_wait3A_303] : memref<8192xf32, #tpu.memory_space<vmem>> -> memref<1906xf32, #tpu.memory_space<vmem>>
      %dma_wait3A_305 = tpu.memref_slice %arg3[%add3A_296] : memref<2684354xf32, #tpu.memory_space<hbm>> -> memref<1906xf32, #tpu.memory_space<hbm>>
      %dma_wait3A_306 = arith.constant 0 : i32
      %dma_wait3A_307 = tpu.memref_slice %arg11[%dma_wait3A_306] : memref<8192xf32, #tpu.memory_space<vmem>> -> memref<1906xf32, #tpu.memory_space<vmem>>
      %dma_wait3A_308 = tpu.memref_slice %arg3[%add3A_296] : memref<2684354xf32, #tpu.memory_space<hbm>> -> memref<1906xf32, #tpu.memory_space<hbm>>
      tpu.wait_dma2 semaphore(%arg23 : memref<!tpu.dma_semaphore, #tpu.memory_space<semaphore_mem>>) src(%dma_wait3A_308 : memref<1906xf32, #tpu.memory_space<hbm>>) dst(%dma_wait3A_307 : memref<1906xf32, #tpu.memory_space<vmem>>)
    } else {
    }
    return
  }
}

</mosaic_0001>

<sc_bundles>
// kernel: kernel.3.cloned.1.call-start
scs
__scs_entry_jumppad:
0x0: {  	(pc) =	sbr.rel $0x88, $3  }
0x1: {  	(tag) =	ssettag $0x0;
	lr =	simm.s32 $0x1  }
0x2: {  	[smem:$0x3F9F] =	sst lr;
	_ =	strace $0xD0000000  }
0x3: {  	_ = 	snop  }
0x4: {  	_ = 	snop  }
0x5: {  	_ = 	snop  }
0x6: {  	_ = 	snop  }
0x7: {  	_ = 	snop  }
__scs_overlays_trampoline_lowered:
0x8: {  	[smem:$0x3FAE] =	sst s0  }
0x9: {  	[smem:$0x3FAF] =	sst s1  }
0xa: {  	[smem:$0x3FB0] =	sst s2  }
0xb: {  	[smem:$0x3FB1] =	sst s3  }
0xc: {  	[smem:$0x3FB2] =	sst s4  }
0xd: {  	[smem:$0x3FB3] =	sst s5  }
0xe: {  	[smem:$0x3FB4] =	sst s6  }
0xf: {  	[smem:$0x3FB5] =	sst s7  }
0x10: {  	[smem:$0x3FB6] =	sst s8  }
0x11: {  	[smem:$0x3FB7] =	sst s9;
	s0 =	simm.s32 @!p0 $0x0  }
0x12: {  	s1 =	sld [smem:$0x3F9D];
	s0 =	simm.s32 @p0 $0x1  }
0x13: {  	[smem:$0x3FB8] =	sst s0;
	s0 =	simm.s32 @!p1 $0x0  }
0x14: {  	s2 =	sld [smem:$0x3F9C];
	s0 =	simm.s32 @p1 $0x1  }
0x15: {  	[smem:$0x3FB9] =	sst s0;
	s0 =	simm.s32 @!p2 $0x0  }
0x16: {  	s3 =	sld [smem:$0x3FDB];
	s0 =	simm.s32 @p2 $0x1  }
0x17: {  	s4 =	simm.s32 $0x1BF5;
	[smem:$0x3FBB] =	sst s0  }
0x18: {  	s0 =	sld [smem:$0x3F9E];
	_ =	swait.ge [sflag:s4], $0x0  }
0x19: {  	s7 =	sld [smem:$0x3F9F]  }
0x1a: {  	s8 =	sadd.s32 $0xFFFFE003, lr  }
0x1b: {  	s9 =	sadd.s32 $0xFFFFFEF7, lr;
	s5 =	simm.s32 $0xFFFFFFFF;
	p2 =	slt.u32 s8, $0xFFFFF086  }
0x1c: {  	p1 =	slt.u32 s9, $0xF7A;
	s5 =	simm.s32 @!p2 $0x0  }
0x1d: {  	s5 =	simm.s32 @p1 $0x1;
	p0 =	seq.s32 s7, s2  }
0x1e: {  	s7 =	smul.u32 @!p0 $0xF7A, s2;
	p2 =	seq.s32 @!p0 s5, $0x0  }
0x1f: {  	s9 =	smul.u32 $0xF7A, s1;
	s8 =	simm.s32 @!p0 $0x1BF5;
	p2 =	por !p2, p0  }
0x20: {  	[sflag:s8] =	ssyncset.s32 @!p0 $0xFFFFF086;
	s6 =	sadd.s32 @!p0 s3, s7;
	s7 =	simm.s32 @!p0 $0x108  }
0x21: {  	s3 =	sadd.s32 s3, s9;
	s6 =	sadd.s32 @!p0 $0x88, s6;
	s7 =	simm.s32 @p2 $0x1082  }
0x22: {  	[simem:s7], [sflag:s8] =	dma.local @!p0 [hbm:s6], $0xF7A  }
0x23: {  	s9 =	sor.u32 $0xD0000000, s2;
	s6 =	simm.s32 $0x108;
	_ =	swait.ge @!p0 [sflag:s8], $0x0  }
0x24: {  	s3 =	sadd.s32 $0x88, s3;
	s6 =	simm.s32 @!p1 $0x1082;
	[sflag:s4] =	ssyncset.s32 $0xFFFFF086  }
0x25: {  	[simem:s6], [sflag:s4] =	dma.local [hbm:s3], $0xF7A  }
0x26: {  	[smem:$0x3F9F] =	sst s1;
	(tag) =	ssettag s2;
	_ =	strace s9  }
0x27: {  	s1 =	sld [smem:$0x3FAF]  }
0x28: {  	s2 =	sld [smem:$0x3FB0]  }
0x29: {  	s4 =	sld [smem:$0x3FB2]  }
0x2a: {  	p0 =	seq.s32 s5, $0x0;
	s5 =	sld [smem:$0x3FB3]  }
0x2b: {  	s6 =	sld [smem:$0x3FB4]  }
0x2c: {  	s7 =	sld [smem:$0x3FB5]  }
0x2d: {  	s3 =	simm.s32 $0x108;
	s8 =	sld [smem:$0x3FB6]  }
0x2e: {  	s3 =	simm.s32 @!p0 $0x1082;
	s9 =	sld [smem:$0x3FB7]  }
0x2f: {  	lr =	sadd.s32 s0, s3;
	s0 =	sld [smem:$0x3FAE]  }
0x30: {  	s3 =	sld [smem:$0x3FB1]  }
0x31: {  	[smem:$0x3FBA] =	sst s10  }
0x32: {  	s10 =	sld [smem:$0x3FB8];
	_ =	sdelay $0x3  }
0x33: {  	p0 =	seq.s32 s10, $0x1;
	s10 =	sld [smem:$0x3FBA];
	_ =	sdelay $0x3  }
0x34: {  	[smem:$0x3FBA] =	sst s10  }
0x35: {  	s10 =	sld [smem:$0x3FB9];
	_ =	sdelay $0x3  }
0x36: {  	p1 =	seq.s32 s10, $0x1;
	s10 =	sld [smem:$0x3FBA];
	_ =	sdelay $0x3  }
0x37: {  	[smem:$0x3FBA] =	sst s10  }
0x38: {  	s10 =	sld [smem:$0x3FBB]  }
0x39: {  	_ = 	snop;
	(pc) =	sbr.ind lr, $3  }
0x3a: {  	_ = 	snop  }
0x3b: {  	_ = 	snop  }
0x3c: {  	p2 =	seq.s32 s10, $0x1;
	s10 =	sld [smem:$0x3FBA]  }
0x3d: {  	_ =	shalt  }
0x3e: {  	_ =	shalt  }
0x3f: {  	_ =	shalt  }
0x40: {  	_ =	shalt  }
0x41: {  	_ =	shalt  }
0x42: {  	_ =	shalt  }
0x43: {  	_ =	shalt  }
0x44: {  	_ =	shalt  }
0x45: {  	_ =	shalt  }
0x46: {  	_ =	shalt  }
0x47: {  	_ =	shalt  }
0x48: {  	_ =	shalt  }
0x49: {  	_ =	shalt  }
0x4a: {  	_ =	shalt  }
0x4b: {  	_ =	shalt  }
0x4c: {  	_ =	shalt  }
0x4d: {  	_ =	shalt  }
0x4e: {  	_ =	shalt  }
0x4f: {  	_ =	shalt  }
0x50: {  	_ =	shalt  }
0x51: {  	_ =	shalt  }
0x52: {  	_ =	shalt  }
0x53: {  	_ =	shalt  }
0x54: {  	_ =	shalt  }
0x55: {  	_ =	shalt  }
0x56: {  	_ =	shalt  }
0x57: {  	_ =	shalt  }
0x58: {  	_ =	shalt  }
0x59: {  	_ =	shalt  }
0x5a: {  	_ =	shalt  }
0x5b: {  	_ =	shalt  }
0x5c: {  	_ =	shalt  }
0x5d: {  	_ =	shalt  }
0x5e: {  	_ =	shalt  }
0x5f: {  	_ =	shalt  }
0x60: {  	_ =	shalt  }
0x61: {  	_ =	shalt  }
0x62: {  	_ =	shalt  }
0x63: {  	_ =	shalt  }
0x64: {  	_ =	shalt  }
0x65: {  	_ =	shalt  }
0x66: {  	_ =	shalt  }
0x67: {  	_ =	shalt  }
0x68: {  	_ =	shalt  }
0x69: {  	_ =	shalt  }
0x6a: {  	_ =	shalt  }
0x6b: {  	_ =	shalt  }
0x6c: {  	_ =	shalt  }
0x6d: {  	_ =	shalt  }
0x6e: {  	_ =	shalt  }
0x6f: {  	_ =	shalt  }
0x70: {  	_ =	shalt  }
0x71: {  	_ =	shalt  }
0x72: {  	_ =	shalt  }
0x73: {  	_ =	shalt  }
0x74: {  	_ =	shalt  }
0x75: {  	_ =	shalt  }
0x76: {  	_ =	shalt  }
0x77: {  	_ =	shalt  }
0x78: {  	_ =	shalt  }
0x79: {  	_ =	shalt  }
0x7a: {  	_ =	shalt  }
0x7b: {  	_ =	shalt  }
0x7c: {  	_ =	shalt  }
0x7d: {  	_ =	shalt  }
0x7e: {  	_ =	shalt  }
0x7f: {  	_ =	shalt  }
0x80: {  	_ =	shalt  }
0x81: {  	_ =	shalt  }
0x82: {  	_ =	shalt  }
0x83: {  	_ =	shalt  }
0x84: {  	_ =	shalt  }
0x85: {  	_ =	shalt  }
0x86: {  	_ =	shalt  }
0x87: {  	_ =	shalt  }
.Lfunc_end0:
.L_simem_size_0:
called_computation_lowered:
.L_overlay_start_0:
0x88: {  	s2 =	sld [smem:$0x3FD9]  }
0x89: {  	s3 =	sld [smem:$0x3FFE];
	_ =	sdelay $0x1  }
0x8a: {  	s1 =	srdreg.scid  }
0x8b: {  	s0 =	sand.u32 $0x1, s1  }
0x8c: {  	s18 =	sshll.u32 s0, $0xA;
	s2 =	sadd.s32 s3, s2  }
0x8d: {  	s2 =	sadd.s32 s2, s18  }
0x8e: {  	[smem:$0x3FC6] =	sst s2  }
0x8f: {  	_ = 	snop  }
0x90: {  	s2 =	sld [smem:$0x3FC9]  }
0x91: {  	s19 =	sld [smem:$0x3FC8];
	(tm) =	ssettm $0x1  }
0x92: {  	s4 =	sld [smem:$0x3FFB];
	_ =	sdelay $0x3  }
0x93: {  	_ =	strace s4  }
0x94: {  	s4 =	sld [smem:$0x3FFC];
	_ =	sdelay $0x3  }
0x95: {  	_ =	strace s4  }
0x96: {  	s4 =	sld [smem:$0x3FFD];
	_ =	sdelay $0x3  }
0x97: {  	_ =	strace s4  }
0x98: {  	_ =	strace $0x8FFFFFFF  }
0x99: {  	s20 =	sld [smem:$0x3FDB];
	_ =	sdelay $0x1  }
0x9a: {  	s5 =	simm.s32 $_scs_section_size  }
0x9b: {  	s6 =	simm.s32 $_size__tile_overlayer_lowered;
	s7 =	simm.s32 $_tile_overlayer_lowered  }
0x9c: {  	s23 =	simm.s32 $0x1BFF;
	s22 =	sshll.u32 s7, $0x1;
	s4 =	sadd.s32 s5, s20  }
0x9d: {  	s8 =	simm.s32 $0x0;
	s21 =	sshll.u32 s6, $0x1;
	s6 =	sadd.s32 s22, s4  }
0x9e: {  	[timem:s8], [sflag:s23] =	dma.local [hbm:s6], s21  }
0x9f: {  	_ =	swait.ge [sflag:s23], s21  }
0xa0: {  	s5 =	ssub.s32 $0x0, s21;
	[sflag:s23] =	ssyncset.done $0x0  }
0xa1: {  	[sflag:s23] =	ssyncadd.s32 s5;
	_ =	sdelay $0x1  }
0xa2: {  	s24 =	simm.s32 $0x1B8B  }
0xa3: {  	_ =	swait.ge [sflag:s24], $0x1  }
0xa4: {  	[sflag:s24] =	ssyncset.done $0x0  }
0xa5: {  	s25 =	simm.s32 $0x1B8E;
	[sflag:s24] =	ssyncadd.s32 $0xFFFFFFFF  }
0xa6: {  	s26 =	simm.s32 $execute0_lowered;
	[smem:$0x3FD2] =	sst s25  }
0xa7: {  	s5 =	sshll.u32 s26, $0x1;
	_ =	strace $0x80000046;
	[dreg:$0x1] =	wrdreg $0xFFFFFFFF  }
0xa8: {  	s28 =	simm.s32 $_size_execute0_lowered;
	s4 =	sadd.s32 s4, s5;
	[dreg:$0x0] =	wrdreg $0x0  }
0xa9: {  	s5 =	sshll.u32 s28, $0x1;
	[dreg:$0x2] =	wrdreg s4  }
0xaa: {  	[dreg:$0x3] =	wrdreg s5  }
0xab: {  	[dreg:$0x4] =	wrdreg $0xC0  }
0xac: {  	_ =	task [dreg:s8], $0x5FFFF  }
0xad: {  	[dreg:$0x1] =	wrdreg $0xFFFFFFFF  }
0xae: {  	[dreg:$0x0] =	wrdreg $0x60  }
0xaf: {  	[dreg:$0x2] =	wrdreg s2  }
0xb0: {  	[dreg:$0x3] =	wrdreg s19  }
0xb1: {  	[dreg:$0x4] =	wrdreg $0x9  }
0xb2: {  	_ =	task.clear_ibuf [dreg:s8], $0x5FFFF;
	_ =	strace $0x90000046  }
0xb3: {  	s29 =	simm.s32 $0x9;
	_ =	strace $0x80000048  }
0xb4: {  	_ =	swait.ge [sflag:s29], $0x1  }
0xb5: {  	[sflag:s29] =	ssyncadd.s32 $0xFFFFFFFF  }
0xb6: {  	_ =	strace $0x90000048  }
0xb7: {  	_ =	sfence  }
0xb8: {  	s30 =	sld [smem:$0x0];
	_ =	sdelay $0x2  }
0xb9: {  	s31 =	sshll.u32 s1, $0xD;
	s1 =	sshrl.u32 s1, $0x2  }
0xba: {  	s3 =	sand.u32 $0x4000, s31;
	s1 =	sadd.s32 s1, s30  }
0xbb: {  	s0 =	sor.u32 s3, s0;
	s1 =	sshll.u32 s1, $0x11  }
0xbc: {  	s0 =	sor.u32 s1, s0  }
0xbd: {  	s0 =	sadd.s32 $0x8F2B, s0  }
0xbe: {  	[sflag:s0] =	ssyncadd.remote.s32 $0x1  }
0xbf: {  	_ =	sfence.sel $0xFFFF  }
0xc0: {  	[dreg:$0x0] =	wrdreg $0xFFFFFFFF;
	(pc) =	sbr.abs _section_cstart, $3  }
0xc1: {  	[dreg:$0x1] =	wrdreg $0xFFFFFFFF  }
0xc2: {  	_ =	task.clear_ibuf [dreg:s8], $0x2FFFF;
	_ =	strace $0x9FFFFFFF  }
0xc3: {  	(tm) =	ssettm $0x7FFFFFFF  }
tec
execute0_lowered:
.L_overlay_start_1:
0x0: {  	(tag) =	ssettag $0x1  }
0x1: {  	s0 =	srdreg.scid;
	s23 =	stileid.u32  }
0x2: {  	s3 =	sand.u32 $0x1, s0;
	s25 =	sshll.u32 s23, $0x1  }
0x3: {  	s0 =	sor.u32 s3, s25  }
0x4: {  	s1 =	rddreg [dreg:$0x0];
	s5 =	smul.u32 $0x147B0, s0  }
0x5: {  	s4 =	rddreg [dreg:$0x1];
	s2 =	simm.s32 $0x0  }
0x6: {  	[smem:$0x7FF] =	sst s2;
	s5 =	sshrl.u32 s5, $0x3  }
0x7: {  	s24 =	rddreg [dreg:$0x2];
	_ =	strace $0x80000047;
	s6 =	sadd.s32 s1, s5  }
0x8: {  	s26 =	sadd.s32 s4, s5;
	s7 =	sadd.s32 $0x400, s5;
	[dreg:$0x3] =	wrdreg s6  }
0x9: {  	[dreg:$0x4] =	wrdreg s26;
	s28 =	sadd.s32 s1, s7  }
0xa: {  	s30 =	sadd.s32 $0x800, s5;
	s29 =	sadd.s32 s4, s7;
	[dreg:$0x5] =	wrdreg s28  }
0xb: {  	p1 =	por $0x0, $0x0;
	s31 =	sadd.s32 s1, s30;
	[dreg:$0x6] =	wrdreg s29  }
0xc: {  	s8 =	sadd.s32 $0xC00, s5;
	s7 =	sadd.s32 s4, s30;
	[dreg:$0x7] =	wrdreg s31  }
0xd: {  	s3 =	ssub.s32 $0x2, s3;
	s9 =	sadd.s32 s1, s8;
	[dreg:$0x8] =	wrdreg s7  }
0xe: {  	s11 =	sadd.s32 $0x1000, s5;
	s10 =	sadd.s32 s4, s8;
	[dreg:$0x9] =	wrdreg s9  }
0xf: {  	p0 =	seq.s32 s0, $0x1F;
	s12 =	sadd.s32 s1, s11;
	[dreg:$0xa] =	wrdreg s10  }
0x10: {  	s14 =	sadd.s32 $0x1400, s5;
	s13 =	sadd.s32 s4, s11;
	[dreg:$0xb] =	wrdreg s12  }
0x11: {  	s17 =	sadd.s32 $0x1800, s5;
	s15 =	sadd.s32 s1, s14;
	[dreg:$0xc] =	wrdreg s13  }
0x12: {  	s20 =	sadd.s32 $0x1C00, s5;
	s16 =	sadd.s32 s4, s14;
	[dreg:$0xd] =	wrdreg s15  }
0x13: {  	s25 =	sadd.s32 $0x2000, s5;
	s18 =	sadd.s32 s1, s17;
	[dreg:$0xe] =	wrdreg s16  }
0x14: {  	s19 =	sadd.s32 s4, s17;
	s8 =	sshrl.u32 s3, $0x1;
	[dreg:$0xf] =	wrdreg s18  }
0x15: {  	s21 =	sadd.s32 s1, s20;
	s22 =	sadd.s32 s4, s20;
	[dreg:$0x10] =	wrdreg s19  }
0x16: {  	s26 =	sadd.s32 s1, s25;
	s14 =	simm.s32 $0x2000;
	[dreg:$0x11] =	wrdreg s21  }
0x17: {  	s20 =	simm.s32 $0xE000;
	s17 =	simm.s32 $0x3;
	[dreg:$0x12] =	wrdreg s22  }
0x18: {  	s3 =	ssub.s32 s3, s8;
	[dreg:$0x13] =	wrdreg s26;
	s28 =	sadd.s32 s4, s25  }
0x19: {  	s29 =	sadd.s32 $0x2400, s5;
	s5 =	sadd.s32 $0x2800, s5;
	s10 =	sadd.s32 $0x51DCA, s1  }
0x1a: {  	s9 =	sadd.s32 $0x51DCA, s4;
	s18 =	simm.s32 $0x8000;
	s31 =	smax.u32 s3, $0x1  }
0x1b: {  	s30 =	sadd.s32 s1, s29;
	s6 =	sadd.s32 s1, s5;
	s1 =	sadd.s32 $0xFFFFFFFF, s31  }
0x1c: {  	s15 =	simm.s32 $0xA000;
	s21 =	simm.s32 $0x4000;
	p2 =	sne.s32 s1, $0x0  }
.Ltmp0:
0x1d: {  	s22 =	simm.s32 $0xC000;
	s19 =	simm.s32 $0x6000;
	(pc) =	sbr.rel @!p2 .LBB2_1-.Ltmp0, $4  }
0x1e: {  	s8 =	simm.s32 $0x1;
	s7 =	simm.s32 $0x5;
	s16 =	simm.s32 $0x7  }
0x1f: {  	s13 =	simm.s32 $0x4;
	s12 =	simm.s32 $0x8;
	s25 =	rddreg [dreg:$0x3]  }
0x20: {  	[dreg:$0x14] =	wrdreg s28;
	s11 =	sadd.s32 s4, s29;
	s5 =	sadd.s32 s4, s5  }
0x21: {  	s4 =	simm.s32 $0x2;
	s3 =	simm.s32 $0x6;
	[dreg:$0x15] =	wrdreg s30  }
0x22: {  	[tilespmem:s2], [sflag:$0x1] =	stream.linear.gather [hbm4b:s25+s2], $0x2000, $0x38;
	[tilespmem:$0x10000] =	vst v63  }
0x23: {  	s0 =	rddreg [dreg:$0x4]  }
0x24: {  	[tilespmem:s18], [sflag:$0x5] =	stream.linear.gather [hbm4b:s0+s2], $0x2000, $0x38;
	[tilespmem:$0x10000] =	vst v63  }
0x25: {  	s23 =	rddreg [dreg:$0x5]  }
0x26: {  	[tilespmem:s14], [sflag:$0x2] =	stream.linear.gather [hbm4b:s23+s2], $0x2000, $0x38;
	[tilespmem:$0x10000] =	vst v63  }
0x27: {  	s25 =	rddreg [dreg:$0x6]  }
0x28: {  	[tilespmem:s15], [sflag:$0x6] =	stream.linear.gather [hbm4b:s25+s2], $0x2000, $0x38;
	[tilespmem:$0x10000] =	vst v63  }
0x29: {  	s26 =	rddreg [dreg:$0x7]  }
0x2a: {  	[tilespmem:s21], [sflag:$0x3] =	stream.linear.gather [hbm4b:s26+s2], $0x2000, $0x38;
	[tilespmem:$0x10000] =	vst v63  }
0x2b: {  	s28 =	rddreg [dreg:$0x8]  }
0x2c: {  	[tilespmem:s22], [sflag:$0x7] =	stream.linear.gather [hbm4b:s28+s2], $0x2000, $0x38;
	[tilespmem:$0x10000] =	vst v63  }
0x2d: {  	s24 =	rddreg [dreg:$0x9]  }
0x2e: {  	[tilespmem:s19], [sflag:$0x4] =	stream.linear.gather [hbm4b:s24+s2], $0x2000, $0x38;
	[tilespmem:$0x10000] =	vst v63  }
0x2f: {  	s25 =	rddreg [dreg:$0xa]  }
0x30: {  	[tilespmem:s20], [sflag:$0x8] =	stream.linear.gather [hbm4b:s25+s2], $0x2000, $0x38;
	[tilespmem:$0x10000] =	vst v63  }
0x31: {  	_ =	swait.ge [sflag:s8], $0x2000  }
0x32: {  	[sflag:s8] =	ssyncset.done $0x0  }
0x33: {  	[sflag:s8] =	ssyncadd.s32 $0xFFFFE000  }
0x34: {  	_ =	swait.ge [sflag:s7], $0x2000  }
0x35: {  	[sflag:s7] =	ssyncset.done $0x0  }
0x36: {  	s26 =	rddreg [dreg:$0xb];
	[sflag:s7] =	ssyncadd.s32 $0xFFFFE000  }
0x37: {  	[tilespmem:s2], [sflag:$0x1] =	stream.linear.gather [hbm4b:s26+s2], $0x2000, $0x38;
	[tilespmem:$0x10000] =	vst v63  }
0x38: {  	s28 =	rddreg [dreg:$0xc]  }
0x39: {  	[tilespmem:s18], [sflag:$0x5] =	stream.linear.gather [hbm4b:s28+s2], $0x2000, $0x38;
	[tilespmem:$0x10000] =	vst v63  }
0x3a: {  	_ =	swait.ge [sflag:s4], $0x2000  }
0x3b: {  	[sflag:s4] =	ssyncset.done $0x0  }
0x3c: {  	[sflag:s4] =	ssyncadd.s32 $0xFFFFE000  }
0x3d: {  	_ =	swait.ge [sflag:s3], $0x2000  }
0x3e: {  	[sflag:s3] =	ssyncset.done $0x0  }
0x3f: {  	s24 =	rddreg [dreg:$0xd];
	[sflag:s3] =	ssyncadd.s32 $0xFFFFE000  }
0x40: {  	[tilespmem:s14], [sflag:$0x2] =	stream.linear.gather [hbm4b:s24+s2], $0x2000, $0x38;
	[tilespmem:$0x10000] =	vst v63  }
0x41: {  	s25 =	rddreg [dreg:$0xe]  }
0x42: {  	[tilespmem:s15], [sflag:$0x6] =	stream.linear.gather [hbm4b:s25+s2], $0x2000, $0x38;
	[tilespmem:$0x10000] =	vst v63  }
0x43: {  	_ =	swait.ge [sflag:s17], $0x2000  }
0x44: {  	[sflag:s17] =	ssyncset.done $0x0  }
0x45: {  	[sflag:s17] =	ssyncadd.s32 $0xFFFFE000  }
0x46: {  	_ =	swait.ge [sflag:s16], $0x2000  }
0x47: {  	[sflag:s16] =	ssyncset.done $0x0  }
0x48: {  	s26 =	rddreg [dreg:$0xf];
	[sflag:s16] =	ssyncadd.s32 $0xFFFFE000  }
0x49: {  	[tilespmem:s21], [sflag:$0x3] =	stream.linear.gather [hbm4b:s26+s2], $0x2000, $0x38;
	[tilespmem:$0x10000] =	vst v63  }
0x4a: {  	s28 =	rddreg [dreg:$0x10]  }
0x4b: {  	[tilespmem:s22], [sflag:$0x7] =	stream.linear.gather [hbm4b:s28+s2], $0x2000, $0x38;
	[tilespmem:$0x10000] =	vst v63  }
0x4c: {  	_ =	swait.ge [sflag:s13], $0x2000  }
0x4d: {  	[sflag:s13] =	ssyncset.done $0x0  }
0x4e: {  	[sflag:s13] =	ssyncadd.s32 $0xFFFFE000  }
0x4f: {  	_ =	swait.ge [sflag:s12], $0x2000  }
0x50: {  	[sflag:s12] =	ssyncset.done $0x0  }
0x51: {  	s23 =	rddreg [dreg:$0x11];
	[sflag:s12] =	ssyncadd.s32 $0xFFFFE000  }
0x52: {  	[tilespmem:s19], [sflag:$0x4] =	stream.linear.gather [hbm4b:s23+s2], $0x2000, $0x38;
	[tilespmem:$0x10000] =	vst v63  }
0x53: {  	s24 =	rddreg [dreg:$0x12]  }
0x54: {  	[tilespmem:s20], [sflag:$0x8] =	stream.linear.gather [hbm4b:s24+s2], $0x2000, $0x38;
	[tilespmem:$0x10000] =	vst v63  }
0x55: {  	_ =	swait.ge [sflag:s8], $0x2000  }
0x56: {  	[sflag:s8] =	ssyncset.done $0x0  }
0x57: {  	[sflag:s8] =	ssyncadd.s32 $0xFFFFE000  }
0x58: {  	_ =	swait.ge [sflag:s7], $0x2000  }
0x59: {  	[sflag:s7] =	ssyncset.done $0x0  }
0x5a: {  	s25 =	rddreg [dreg:$0x13];
	[sflag:s7] =	ssyncadd.s32 $0xFFFFE000  }
0x5b: {  	[tilespmem:s2], [sflag:$0x1] =	stream.linear.gather [hbm4b:s25+s2], $0x2000, $0x38;
	[tilespmem:$0x10000] =	vst v63  }
0x5c: {  	s26 =	rddreg [dreg:$0x14]  }
0x5d: {  	[tilespmem:s18], [sflag:$0x5] =	stream.linear.gather [hbm4b:s26+s2], $0x2000, $0x38;
	[tilespmem:$0x10000] =	vst v63  }
0x5e: {  	_ =	swait.ge [sflag:s4], $0x2000  }
0x5f: {  	[sflag:s4] =	ssyncset.done $0x0  }
0x60: {  	[sflag:s4] =	ssyncadd.s32 $0xFFFFE000  }
0x61: {  	_ =	swait.ge [sflag:s3], $0x2000  }
0x62: {  	[sflag:s3] =	ssyncset.done $0x0  }
0x63: {  	s28 =	rddreg [dreg:$0x15];
	[sflag:s3] =	ssyncadd.s32 $0xFFFFE000  }
0x64: {  	[tilespmem:s14], [sflag:$0x2] =	stream.linear.gather [hbm4b:s28+s2], $0x2000, $0x38;
	[tilespmem:$0x10000] =	vst v63  }
0x65: {  	_ = 	snop  }
0x66: {  	[tilespmem:s15], [sflag:$0x6] =	stream.linear.gather [hbm4b:s11+s2], $0x2000, $0x38;
	[tilespmem:$0x10000] =	vst v63  }
0x67: {  	_ =	swait.ge [sflag:s17], $0x2000  }
0x68: {  	[sflag:s17] =	ssyncset.done $0x0  }
0x69: {  	[sflag:s17] =	ssyncadd.s32 $0xFFFFE000  }
0x6a: {  	_ =	swait.ge [sflag:s16], $0x2000  }
0x6b: {  	[sflag:s16] =	ssyncset.done $0x0  }
0x6c: {  	s0 =	simm.s32 @p0 $0x4000;
	s23 =	simm.s32 @p0 $0x0;
	[sflag:s16] =	ssyncadd.s32 $0xFFFFE000  }
0x6d: {  	[tilespmem:s0], [sflag:$0x3] =	stream.linear.gather @p0 [hbm4b:s10+s23], $0x772, $0x38;
	[tilespmem:$0x10000] =	vst v63  }
0x6e: {  	s0 =	simm.s32 @p0 $0xC000  }
0x6f: {  	[tilespmem:s0], [sflag:$0x7] =	stream.linear.gather @p0 [hbm4b:s9+s23], $0x772, $0x38;
	[tilespmem:$0x10000] =	vst v63  }
0x70: {  	s26 =	simm.s32 @!p0 $0x0;
	s0 =	simm.s32 @!p0 $0x4000  }
0x71: {  	[tilespmem:s0], [sflag:$0x3] =	stream.linear.gather @!p0 [hbm4b:s6+s26], $0x7B0, $0x38;
	[tilespmem:$0x10000] =	vst v63  }
0x72: {  	s29 =	simm.s32 @!p0 $0xC000  }
0x73: {  	[tilespmem:s29], [sflag:$0x7] =	stream.linear.gather @!p0 [hbm4b:s5+s26], $0x7B0, $0x38;
	[tilespmem:$0x10000] =	vst v63  }
0x74: {  	_ =	swait.ge [sflag:s13], $0x2000  }
0x75: {  	[sflag:s13] =	ssyncset.done $0x0  }
0x76: {  	[sflag:s13] =	ssyncadd.s32 $0xFFFFE000  }
0x77: {  	_ =	swait.ge [sflag:s12], $0x2000  }
0x78: {  	[sflag:s12] =	ssyncset.done $0x0  }
0x79: {  	[sflag:s12] =	ssyncadd.s32 $0xFFFFE000  }
0x7a: {  	_ =	swait.ge [sflag:s8], $0x2000  }
0x7b: {  	[sflag:s8] =	ssyncset.done $0x0  }
0x7c: {  	[sflag:s8] =	ssyncadd.s32 $0xFFFFE000  }
0x7d: {  	_ =	swait.ge [sflag:s7], $0x2000  }
0x7e: {  	[sflag:s7] =	ssyncset.done $0x0  }
0x7f: {  	[sflag:s7] =	ssyncadd.s32 $0xFFFFE000  }
0x80: {  	_ =	swait.ge [sflag:s4], $0x2000  }
0x81: {  	[sflag:s4] =	ssyncset.done $0x0  }
0x82: {  	[sflag:s4] =	ssyncadd.s32 $0xFFFFE000  }
0x83: {  	_ =	swait.ge [sflag:s3], $0x2000  }
0x84: {  	[sflag:s3] =	ssyncset.done $0x0  }
0x85: {  	s30 =	simm.s32 @p0 $0x3;
	[sflag:s3] =	ssyncadd.s32 $0xFFFFE000  }
0x86: {  	_ =	swait.ge @p0 [sflag:s30], $0x772  }
0x87: {  	[sflag:s30] =	ssyncset.done @p0 $0x0  }
0x88: {  	s31 =	simm.s32 @p0 $0x7;
	[sflag:s30] =	ssyncadd.s32 @p0 $0xFFFFF88E  }
0x89: {  	_ =	swait.ge @p0 [sflag:s31], $0x772  }
0x8a: {  	s24 =	sadd.s32 $0xFFFFFFFF, s1;
	[sflag:s31] =	ssyncset.done @p0 $0x0  }
0x8b: {  	p2 =	sne.s32 s24, $0x0;
	s0 =	simm.s32 @!p0 $0x3;
	[sflag:s31] =	ssyncadd.s32 @p0 $0xFFFFF88E  }
.Ltmp1:
0x8c: {  	_ =	swait.ge @!p0 [sflag:s0], $0x7B0;
	(pc) =	sbr.rel @!p2 .LBB2_3-.Ltmp1, $4  }
0x8d: {  	[sflag:s0] =	ssyncset.done @!p0 $0x0  }
0x8e: {  	s1 =	simm.s32 @!p0 $0x7;
	[sflag:s0] =	ssyncadd.s32 @!p0 $0xFFFFF850  }
0x8f: {  	_ =	swait.ge @!p0 [sflag:s1], $0x7B0  }
0x90: {  	p1 =	por $0x1, $0x1;
	s25 =	rddreg [dreg:$0x3];
	[sflag:s1] =	ssyncset.done @!p0 $0x0  }
.LBB2_4:
0x91: {  	[sflag:s1] =	ssyncadd.s32 @!p0 $0xFFFFF850  }
0x92: {  	[tilespmem:s2], [sflag:$0x1] =	stream.linear.gather [hbm4b:s25+s2], $0x2000, $0x38;
	[tilespmem:$0x10000] =	vst v63  }
0x93: {  	s28 =	rddreg [dreg:$0x4]  }
0x94: {  	[tilespmem:s18], [sflag:$0x5] =	stream.linear.gather [hbm4b:s28+s2], $0x2000, $0x38;
	[tilespmem:$0x10000] =	vst v63  }
0x95: {  	s25 =	rddreg [dreg:$0x5]  }
0x96: {  	[tilespmem:s14], [sflag:$0x2] =	stream.linear.gather [hbm4b:s25+s2], $0x2000, $0x38;
	[tilespmem:$0x10000] =	vst v63  }
0x97: {  	s28 =	rddreg [dreg:$0x6]  }
0x98: {  	[tilespmem:s15], [sflag:$0x6] =	stream.linear.gather [hbm4b:s28+s2], $0x2000, $0x38;
	[tilespmem:$0x10000] =	vst v63  }
0x99: {  	s25 =	rddreg [dreg:$0x7]  }
0x9a: {  	[tilespmem:s21], [sflag:$0x3] =	stream.linear.gather [hbm4b:s25+s2], $0x2000, $0x38;
	[tilespmem:$0x10000] =	vst v63  }
0x9b: {  	s28 =	rddreg [dreg:$0x8]  }
0x9c: {  	[tilespmem:s22], [sflag:$0x7] =	stream.linear.gather [hbm4b:s28+s2], $0x2000, $0x38;
	[tilespmem:$0x10000] =	vst v63  }
0x9d: {  	s25 =	rddreg [dreg:$0x9]  }
0x9e: {  	[tilespmem:s19], [sflag:$0x4] =	stream.linear.gather [hbm4b:s25+s2], $0x2000, $0x38;
	[tilespmem:$0x10000] =	vst v63  }
0x9f: {  	s28 =	rddreg [dreg:$0xa]  }
0xa0: {  	[tilespmem:s20], [sflag:$0x8] =	stream.linear.gather [hbm4b:s28+s2], $0x2000, $0x38;
	[tilespmem:$0x10000] =	vst v63  }
0xa1: {  	_ =	swait.ge [sflag:s8], $0x2000  }
0xa2: {  	[sflag:s8] =	ssyncset.done $0x0  }
0xa3: {  	[sflag:s8] =	ssyncadd.s32 $0xFFFFE000  }
0xa4: {  	_ =	swait.ge [sflag:s7], $0x2000  }
0xa5: {  	[sflag:s7] =	ssyncset.done $0x0  }
0xa6: {  	s25 =	rddreg [dreg:$0xb];
	[sflag:s7] =	ssyncadd.s32 $0xFFFFE000  }
0xa7: {  	[tilespmem:s2], [sflag:$0x1] =	stream.linear.gather [hbm4b:s25+s2], $0x2000, $0x38;
	[tilespmem:$0x10000] =	vst v63  }
0xa8: {  	s28 =	rddreg [dreg:$0xc]  }
0xa9: {  	[tilespmem:s18], [sflag:$0x5] =	stream.linear.gather [hbm4b:s28+s2], $0x2000, $0x38;
	[tilespmem:$0x10000] =	vst v63  }
0xaa: {  	_ =	swait.ge [sflag:s4], $0x2000  }
0xab: {  	[sflag:s4] =	ssyncset.done $0x0  }
0xac: {  	[sflag:s4] =	ssyncadd.s32 $0xFFFFE000  }
0xad: {  	_ =	swait.ge [sflag:s3], $0x2000  }
0xae: {  	[sflag:s3] =	ssyncset.done $0x0  }
0xaf: {  	s25 =	rddreg [dreg:$0xd];
	[sflag:s3] =	ssyncadd.s32 $0xFFFFE000  }
0xb0: {  	[tilespmem:s14], [sflag:$0x2] =	stream.linear.gather [hbm4b:s25+s2], $0x2000, $0x38;
	[tilespmem:$0x10000] =	vst v63  }
0xb1: {  	s28 =	rddreg [dreg:$0xe]  }
0xb2: {  	[tilespmem:s15], [sflag:$0x6] =	stream.linear.gather [hbm4b:s28+s2], $0x2000, $0x38;
	[tilespmem:$0x10000] =	vst v63  }
0xb3: {  	_ =	swait.ge [sflag:s17], $0x2000  }
0xb4: {  	[sflag:s17] =	ssyncset.done $0x0  }
0xb5: {  	[sflag:s17] =	ssyncadd.s32 $0xFFFFE000  }
0xb6: {  	_ =	swait.ge [sflag:s16], $0x2000  }
0xb7: {  	[sflag:s16] =	ssyncset.done $0x0  }
0xb8: {  	s25 =	rddreg [dreg:$0xf];
	[sflag:s16] =	ssyncadd.s32 $0xFFFFE000  }
0xb9: {  	[tilespmem:s21], [sflag:$0x3] =	stream.linear.gather [hbm4b:s25+s2], $0x2000, $0x38;
	[tilespmem:$0x10000] =	vst v63  }
0xba: {  	s28 =	rddreg [dreg:$0x10]  }
0xbb: {  	[tilespmem:s22], [sflag:$0x7] =	stream.linear.gather [hbm4b:s28+s2], $0x2000, $0x38;
	[tilespmem:$0x10000] =	vst v63  }
0xbc: {  	_ =	swait.ge [sflag:s13], $0x2000  }
0xbd: {  	[sflag:s13] =	ssyncset.done $0x0  }
0xbe: {  	[sflag:s13] =	ssyncadd.s32 $0xFFFFE000  }
0xbf: {  	_ =	swait.ge [sflag:s12], $0x2000  }
0xc0: {  	[sflag:s12] =	ssyncset.done $0x0  }
0xc1: {  	s25 =	rddreg [dreg:$0x11];
	[sflag:s12] =	ssyncadd.s32 $0xFFFFE000  }
0xc2: {  	[tilespmem:s19], [sflag:$0x4] =	stream.linear.gather [hbm4b:s25+s2], $0x2000, $0x38;
	[tilespmem:$0x10000] =	vst v63  }
0xc3: {  	s28 =	rddreg [dreg:$0x12]  }
0xc4: {  	[tilespmem:s20], [sflag:$0x8] =	stream.linear.gather [hbm4b:s28+s2], $0x2000, $0x38;
	[tilespmem:$0x10000] =	vst v63  }
0xc5: {  	_ =	swait.ge [sflag:s8], $0x2000  }
0xc6: {  	[sflag:s8] =	ssyncset.done $0x0  }
0xc7: {  	[sflag:s8] =	ssyncadd.s32 $0xFFFFE000  }
0xc8: {  	_ =	swait.ge [sflag:s7], $0x2000  }
0xc9: {  	[sflag:s7] =	ssyncset.done $0x0  }
0xca: {  	s25 =	rddreg [dreg:$0x13];
	[sflag:s7] =	ssyncadd.s32 $0xFFFFE000  }
0xcb: {  	[tilespmem:s2], [sflag:$0x1] =	stream.linear.gather [hbm4b:s25+s2], $0x2000, $0x38;
	[tilespmem:$0x10000] =	vst v63  }
0xcc: {  	s28 =	rddreg [dreg:$0x14]  }
0xcd: {  	[tilespmem:s18], [sflag:$0x5] =	stream.linear.gather [hbm4b:s28+s2], $0x2000, $0x38;
	[tilespmem:$0x10000] =	vst v63  }
0xce: {  	_ =	swait.ge [sflag:s4], $0x2000  }
0xcf: {  	[sflag:s4] =	ssyncset.done $0x0  }
0xd0: {  	[sflag:s4] =	ssyncadd.s32 $0xFFFFE000  }
0xd1: {  	_ =	swait.ge [sflag:s3], $0x2000  }
0xd2: {  	[sflag:s3] =	ssyncset.done $0x0  }
0xd3: {  	s28 =	rddreg [dreg:$0x15];
	[sflag:s3] =	ssyncadd.s32 $0xFFFFE000  }
0xd4: {  	[tilespmem:s14], [sflag:$0x2] =	stream.linear.gather [hbm4b:s28+s2], $0x2000, $0x38;
	[tilespmem:$0x10000] =	vst v63  }
0xd5: {  	_ = 	snop  }
0xd6: {  	[tilespmem:s15], [sflag:$0x6] =	stream.linear.gather [hbm4b:s11+s2], $0x2000, $0x38;
	[tilespmem:$0x10000] =	vst v63  }
0xd7: {  	_ =	swait.ge [sflag:s17], $0x2000  }
0xd8: {  	[sflag:s17] =	ssyncset.done $0x0  }
0xd9: {  	[sflag:s17] =	ssyncadd.s32 $0xFFFFE000  }
0xda: {  	_ =	swait.ge [sflag:s16], $0x2000  }
0xdb: {  	[sflag:s16] =	ssyncset.done $0x0  }
0xdc: {  	s25 =	simm.s32 @p0 $0x4000;
	[sflag:s16] =	ssyncadd.s32 $0xFFFFE000  }
0xdd: {  	[tilespmem:s25], [sflag:$0x3] =	stream.linear.gather @p0 [hbm4b:s10+s23], $0x772, $0x38;
	[tilespmem:$0x10000] =	vst v63  }
0xde: {  	s25 =	simm.s32 @p0 $0xC000  }
0xdf: {  	[tilespmem:s25], [sflag:$0x7] =	stream.linear.gather @p0 [hbm4b:s9+s23], $0x772, $0x38;
	[tilespmem:$0x10000] =	vst v63  }
0xe0: {  	s25 =	simm.s32 @!p0 $0x4000  }
0xe1: {  	[tilespmem:s25], [sflag:$0x3] =	stream.linear.gather @!p0 [hbm4b:s6+s26], $0x7B0, $0x38;
	[tilespmem:$0x10000] =	vst v63  }
0xe2: {  	_ = 	snop  }
0xe3: {  	[tilespmem:s29], [sflag:$0x7] =	stream.linear.gather @!p0 [hbm4b:s5+s26], $0x7B0, $0x38;
	[tilespmem:$0x10000] =	vst v63  }
0xe4: {  	_ =	swait.ge [sflag:s13], $0x2000  }
0xe5: {  	[sflag:s13] =	ssyncset.done $0x0  }
0xe6: {  	[sflag:s13] =	ssyncadd.s32 $0xFFFFE000  }
0xe7: {  	_ =	swait.ge [sflag:s12], $0x2000  }
0xe8: {  	[sflag:s12] =	ssyncset.done $0x0  }
0xe9: {  	[sflag:s12] =	ssyncadd.s32 $0xFFFFE000  }
0xea: {  	_ =	swait.ge [sflag:s8], $0x2000  }
0xeb: {  	[sflag:s8] =	ssyncset.done $0x0  }
0xec: {  	[sflag:s8] =	ssyncadd.s32 $0xFFFFE000  }
0xed: {  	_ =	swait.ge [sflag:s7], $0x2000  }
0xee: {  	[sflag:s7] =	ssyncset.done $0x0  }
0xef: {  	[sflag:s7] =	ssyncadd.s32 $0xFFFFE000  }
0xf0: {  	_ =	swait.ge [sflag:s4], $0x2000  }
0xf1: {  	[sflag:s4] =	ssyncset.done $0x0  }
0xf2: {  	[sflag:s4] =	ssyncadd.s32 $0xFFFFE000  }
0xf3: {  	_ =	swait.ge [sflag:s3], $0x2000  }
0xf4: {  	[sflag:s3] =	ssyncset.done $0x0  }
0xf5: {  	[sflag:s3] =	ssyncadd.s32 $0xFFFFE000  }
0xf6: {  	_ =	swait.ge @p0 [sflag:s30], $0x772  }
0xf7: {  	[sflag:s30] =	ssyncset.done @p0 $0x0  }
0xf8: {  	[sflag:s30] =	ssyncadd.s32 @p0 $0xFFFFF88E  }
0xf9: {  	_ =	swait.ge @p0 [sflag:s31], $0x772  }
0xfa: {  	s24 =	sadd.s32 $0xFFFFFFFF, s24;
	[sflag:s31] =	ssyncset.done @p0 $0x0  }
0xfb: {  	p2 =	sne.s32 s24, $0x0;
	[sflag:s31] =	ssyncadd.s32 @p0 $0xFFFFF88E  }
.Ltmp2:
0xfc: {  	_ =	swait.ge @!p0 [sflag:s0], $0x7B0;
	(pc) =	sbr.rel @p2 .LBB2_4-.Ltmp2, $4  }
0xfd: {  	[sflag:s0] =	ssyncset.done @!p0 $0x0  }
0xfe: {  	[sflag:s0] =	ssyncadd.s32 @!p0 $0xFFFFF850  }
0xff: {  	_ =	swait.ge @!p0 [sflag:s1], $0x7B0  }
0x100: {  	s25 =	rddreg [dreg:$0x3];
	[sflag:s1] =	ssyncset.done @!p0 $0x0  }
0x101: {  	s23 =	stileid.u32;
	s24 =	rddreg [dreg:$0x2]  }
.LBB2_6:
0x102: {  	p1 =	por p0, !p1  }
0x103: {  	[sflag:s1] =	ssyncadd.s32 @!p1 $0xFFFFF850  }
0x104: {  	[tilespmem:s2], [sflag:$0x1] =	stream.linear.gather [hbm4b:s25+s2], $0x2000, $0x38;
	[tilespmem:$0x10000] =	vst v63  }
0x105: {  	s0 =	rddreg [dreg:$0x4]  }
0x106: {  	[tilespmem:s18], [sflag:$0x5] =	stream.linear.gather [hbm4b:s0+s2], $0x2000, $0x38;
	[tilespmem:$0x10000] =	vst v63  }
0x107: {  	s28 =	rddreg [dreg:$0x5]  }
0x108: {  	[tilespmem:s14], [sflag:$0x2] =	stream.linear.gather [hbm4b:s28+s2], $0x2000, $0x38;
	[tilespmem:$0x10000] =	vst v63  }
0x109: {  	s29 =	rddreg [dreg:$0x6]  }
0x10a: {  	[tilespmem:s15], [sflag:$0x6] =	stream.linear.gather [hbm4b:s29+s2], $0x2000, $0x38;
	[tilespmem:$0x10000] =	vst v63  }
0x10b: {  	s30 =	rddreg [dreg:$0x7]  }
0x10c: {  	[tilespmem:s21], [sflag:$0x3] =	stream.linear.gather [hbm4b:s30+s2], $0x2000, $0x38;
	[tilespmem:$0x10000] =	vst v63  }
0x10d: {  	s31 =	rddreg [dreg:$0x8]  }
0x10e: {  	[tilespmem:s22], [sflag:$0x7] =	stream.linear.gather [hbm4b:s31+s2], $0x2000, $0x38;
	[tilespmem:$0x10000] =	vst v63  }
0x10f: {  	s25 =	rddreg [dreg:$0x9]  }
0x110: {  	[tilespmem:s19], [sflag:$0x4] =	stream.linear.gather [hbm4b:s25+s2], $0x2000, $0x38;
	[tilespmem:$0x10000] =	vst v63  }
0x111: {  	s26 =	rddreg [dreg:$0xa]  }
0x112: {  	[tilespmem:s20], [sflag:$0x8] =	stream.linear.gather [hbm4b:s26+s2], $0x2000, $0x38;
	[tilespmem:$0x10000] =	vst v63  }
0x113: {  	_ =	swait.ge [sflag:s8], $0x2000  }
0x114: {  	[sflag:s8] =	ssyncset.done $0x0  }
0x115: {  	[sflag:s8] =	ssyncadd.s32 $0xFFFFE000  }
0x116: {  	_ =	swait.ge [sflag:s7], $0x2000  }
0x117: {  	[sflag:s7] =	ssyncset.done $0x0  }
0x118: {  	s28 =	rddreg [dreg:$0xb];
	[sflag:s7] =	ssyncadd.s32 $0xFFFFE000  }
0x119: {  	[tilespmem:s2], [sflag:$0x1] =	stream.linear.gather [hbm4b:s28+s2], $0x2000, $0x38;
	[tilespmem:$0x10000] =	vst v63  }
0x11a: {  	s29 =	rddreg [dreg:$0xc]  }
0x11b: {  	[tilespmem:s18], [sflag:$0x5] =	stream.linear.gather [hbm4b:s29+s2], $0x2000, $0x38;
	[tilespmem:$0x10000] =	vst v63  }
0x11c: {  	_ =	swait.ge [sflag:s4], $0x2000  }
0x11d: {  	[sflag:s4] =	ssyncset.done $0x0  }
0x11e: {  	[sflag:s4] =	ssyncadd.s32 $0xFFFFE000  }
0x11f: {  	_ =	swait.ge [sflag:s3], $0x2000  }
0x120: {  	[sflag:s3] =	ssyncset.done $0x0  }
0x121: {  	s30 =	rddreg [dreg:$0xd];
	[sflag:s3] =	ssyncadd.s32 $0xFFFFE000  }
0x122: {  	[tilespmem:s14], [sflag:$0x2] =	stream.linear.gather [hbm4b:s30+s2], $0x2000, $0x38;
	[tilespmem:$0x10000] =	vst v63  }
0x123: {  	s31 =	rddreg [dreg:$0xe]  }
0x124: {  	[tilespmem:s15], [sflag:$0x6] =	stream.linear.gather [hbm4b:s31+s2], $0x2000, $0x38;
	[tilespmem:$0x10000] =	vst v63  }
0x125: {  	_ =	swait.ge [sflag:s17], $0x2000  }
0x126: {  	[sflag:s17] =	ssyncset.done $0x0  }
0x127: {  	[sflag:s17] =	ssyncadd.s32 $0xFFFFE000  }
0x128: {  	_ =	swait.ge [sflag:s16], $0x2000  }
0x129: {  	[sflag:s16] =	ssyncset.done $0x0  }
0x12a: {  	s1 =	rddreg [dreg:$0xf];
	[sflag:s16] =	ssyncadd.s32 $0xFFFFE000  }
0x12b: {  	[tilespmem:s21], [sflag:$0x3] =	stream.linear.gather [hbm4b:s1+s2], $0x2000, $0x38;
	[tilespmem:$0x10000] =	vst v63  }
0x12c: {  	s25 =	rddreg [dreg:$0x10]  }
0x12d: {  	[tilespmem:s22], [sflag:$0x7] =	stream.linear.gather [hbm4b:s25+s2], $0x2000, $0x38;
	[tilespmem:$0x10000] =	vst v63  }
0x12e: {  	_ =	swait.ge [sflag:s13], $0x2000  }
0x12f: {  	[sflag:s13] =	ssyncset.done $0x0  }
0x130: {  	[sflag:s13] =	ssyncadd.s32 $0xFFFFE000  }
0x131: {  	_ =	swait.ge [sflag:s12], $0x2000  }
0x132: {  	[sflag:s12] =	ssyncset.done $0x0  }
0x133: {  	s26 =	rddreg [dreg:$0x11];
	[sflag:s12] =	ssyncadd.s32 $0xFFFFE000  }
0x134: {  	[tilespmem:s19], [sflag:$0x4] =	stream.linear.gather [hbm4b:s26+s2], $0x2000, $0x38;
	[tilespmem:$0x10000] =	vst v63  }
0x135: {  	s28 =	rddreg [dreg:$0x12]  }
0x136: {  	[tilespmem:s20], [sflag:$0x8] =	stream.linear.gather [hbm4b:s28+s2], $0x2000, $0x38;
	[tilespmem:$0x10000] =	vst v63  }
0x137: {  	_ =	swait.ge [sflag:s8], $0x2000  }
0x138: {  	[sflag:s8] =	ssyncset.done $0x0  }
0x139: {  	[sflag:s8] =	ssyncadd.s32 $0xFFFFE000  }
0x13a: {  	_ =	swait.ge [sflag:s7], $0x2000  }
0x13b: {  	[sflag:s7] =	ssyncset.done $0x0  }
0x13c: {  	s29 =	rddreg [dreg:$0x13];
	[sflag:s7] =	ssyncadd.s32 $0xFFFFE000  }
0x13d: {  	[tilespmem:s2], [sflag:$0x1] =	stream.linear.gather [hbm4b:s29+s2], $0x2000, $0x38;
	[tilespmem:$0x10000] =	vst v63  }
0x13e: {  	s30 =	rddreg [dreg:$0x14]  }
0x13f: {  	[tilespmem:s18], [sflag:$0x5] =	stream.linear.gather [hbm4b:s30+s2], $0x2000, $0x38;
	[tilespmem:$0x10000] =	vst v63  }
0x140: {  	_ =	swait.ge [sflag:s4], $0x2000  }
0x141: {  	[sflag:s4] =	ssyncset.done $0x0  }
0x142: {  	[sflag:s4] =	ssyncadd.s32 $0xFFFFE000  }
0x143: {  	_ =	swait.ge [sflag:s3], $0x2000  }
0x144: {  	[sflag:s3] =	ssyncset.done $0x0  }
0x145: {  	s31 =	rddreg [dreg:$0x15];
	[sflag:s3] =	ssyncadd.s32 $0xFFFFE000  }
0x146: {  	[tilespmem:s14], [sflag:$0x2] =	stream.linear.gather [hbm4b:s31+s2], $0x2000, $0x38;
	[tilespmem:$0x10000] =	vst v63  }
0x147: {  	_ = 	snop  }
0x148: {  	[tilespmem:s15], [sflag:$0x6] =	stream.linear.gather [hbm4b:s11+s2], $0x2000, $0x38;
	[tilespmem:$0x10000] =	vst v63  }
0x149: {  	_ =	swait.ge [sflag:s17], $0x2000  }
0x14a: {  	[sflag:s17] =	ssyncset.done $0x0  }
0x14b: {  	[sflag:s17] =	ssyncadd.s32 $0xFFFFE000  }
0x14c: {  	_ =	swait.ge [sflag:s16], $0x2000  }
0x14d: {  	[sflag:s16] =	ssyncset.done $0x0  }
0x14e: {  	s0 =	simm.s32 @p0 $0x0;
	s1 =	simm.s32 @p0 $0x4000;
	[sflag:s16] =	ssyncadd.s32 $0xFFFFE000  }
0x14f: {  	[tilespmem:s1], [sflag:$0x3] =	stream.linear.gather @p0 [hbm4b:s10+s0], $0x772, $0x38;
	[tilespmem:$0x10000] =	vst v63  }
0x150: {  	s1 =	simm.s32 @p0 $0xC000  }
0x151: {  	[tilespmem:s1], [sflag:$0x7] =	stream.linear.gather @p0 [hbm4b:s9+s0], $0x772, $0x38;
	[tilespmem:$0x10000] =	vst v63  }
0x152: {  	s0 =	simm.s32 @!p0 $0x0;
	s1 =	simm.s32 @!p0 $0x4000  }
0x153: {  	[tilespmem:s1], [sflag:$0x3] =	stream.linear.gather @!p0 [hbm4b:s6+s0], $0x7B0, $0x38;
	[tilespmem:$0x10000] =	vst v63  }
0x154: {  	s1 =	simm.s32 @!p0 $0xC000  }
0x155: {  	[tilespmem:s1], [sflag:$0x7] =	stream.linear.gather @!p0 [hbm4b:s5+s0], $0x7B0, $0x38;
	[tilespmem:$0x10000] =	vst v63  }
0x156: {  	_ =	swait.ge [sflag:s13], $0x2000  }
0x157: {  	[sflag:s13] =	ssyncset.done $0x0  }
0x158: {  	[sflag:s13] =	ssyncadd.s32 $0xFFFFE000  }
0x159: {  	_ =	swait.ge [sflag:s12], $0x2000  }
0x15a: {  	[sflag:s12] =	ssyncset.done $0x0  }
0x15b: {  	[sflag:s12] =	ssyncadd.s32 $0xFFFFE000  }
0x15c: {  	_ =	swait.ge [sflag:s8], $0x2000  }
0x15d: {  	[sflag:s8] =	ssyncset.done $0x0  }
0x15e: {  	[sflag:s8] =	ssyncadd.s32 $0xFFFFE000  }
0x15f: {  	_ =	swait.ge [sflag:s7], $0x2000  }
0x160: {  	[sflag:s7] =	ssyncset.done $0x0  }
0x161: {  	[sflag:s7] =	ssyncadd.s32 $0xFFFFE000  }
0x162: {  	_ =	swait.ge [sflag:s4], $0x2000  }
0x163: {  	[sflag:s4] =	ssyncset.done $0x0  }
0x164: {  	[sflag:s4] =	ssyncadd.s32 $0xFFFFE000  }
0x165: {  	_ =	swait.ge [sflag:s3], $0x2000  }
0x166: {  	[sflag:s3] =	ssyncset.done $0x0  }
0x167: {  	s0 =	simm.s32 @p0 $0x3;
	[sflag:s3] =	ssyncadd.s32 $0xFFFFE000  }
0x168: {  	_ =	swait.ge @p0 [sflag:s0], $0x772  }
0x169: {  	[sflag:s0] =	ssyncset.done @p0 $0x0  }
0x16a: {  	[sflag:s0] =	ssyncadd.s32 @p0 $0xFFFFF88E;
	s0 =	simm.s32 @p0 $0x7  }
0x16b: {  	_ =	swait.ge @p0 [sflag:s0], $0x772  }
0x16c: {  	[sflag:s0] =	ssyncset.done @p0 $0x0  }
0x16d: {  	[sflag:s0] =	ssyncadd.s32 @p0 $0xFFFFF88E;
	s0 =	simm.s32 @!p0 $0x3  }
0x16e: {  	_ =	swait.ge @!p0 [sflag:s0], $0x7B0  }
0x16f: {  	[sflag:s0] =	ssyncset.done @!p0 $0x0  }
0x170: {  	[sflag:s0] =	ssyncadd.s32 @!p0 $0xFFFFF850;
	s0 =	simm.s32 @!p0 $0x7  }
0x171: {  	_ =	swait.ge @!p0 [sflag:s0], $0x7B0  }
0x172: {  	[sflag:s0] =	ssyncset.done @!p0 $0x0  }
0x173: {  	[sflag:s0] =	ssyncadd.s32 @!p0 $0xFFFFF850  }
0x174: {  	_ =	sfence.sel $0x180000  }
0x175: {  	[bflag:$0x0] =	sbarrier.arrive $0xFFFF  }
0x176: {  	p0 =	sne.s32 s23, $0x0;
	_ =	strace $0x90000047  }
0x177: {  	s0 =	sadd.s32 @!p0 $0x100000, s24;
	[bflag:$0x2] =	sbarrier.arrive $0xFFFF  }
0x178: {  	[sflag:s0] =	ssyncadd.tile.s32 @!p0 $0x1;
	_ =	shalt  }
.LBB2_1:
.Ltmp3:
0x179: {  	(pc) =	sbr.rel .LBB2_6-.Ltmp3, $2  }
0x17a: {  	_ =	sdelay $0x2  }
0x17b: {  	_ = 	snop  }
.LBB2_3:
.Ltmp4:
0x17c: {  	(pc) =	sbr.rel .LBB2_6-.Ltmp4, $2  }
0x17d: {  	_ =	sdelay $0x2  }
0x17e: {  	s23 =	stileid.u32;
	s24 =	rddreg [dreg:$0x2]  }
.Lfunc_end2:
_tile_overlayer_lowered:
.L_overlay_start_2:
0x17f: {  	(tag) =	ssettag $0x2  }
0x180: {  	s0 =	rddreg [dreg:$0x0];
	s2 =	stileid.u32  }
0x181: {  	s1 =	rddreg [dreg:$0x1];
	p0 =	sne.s32 s2, $0x0  }
0x182: {  	s3 =	rddreg [dreg:$0x2];
	[bflag:$0x3] =	sbarrier.arrive $0xFFFF;
	s2 =	simm.s32 @!p0 $0x1C09  }
0x183: {  	[timem:s3], [sflag:s2] =	dma.local @!p0 [hbm:s0], s1  }
0x184: {  	s0 =	simm.s32 @!p0 $0x9  }
0x185: {  	_ =	swait.ge @!p0 [sflag:s0], s1  }
0x186: {  	s1 =	ssub.s32 @!p0 $0x0, s1;
	[sflag:s0] =	ssyncset.done @!p0 $0x0  }
0x187: {  	[sflag:s0] =	ssyncadd.s32 @!p0 s1  }
0x188: {  	[bflag:$0x3] =	sbarrier.arrive $0xFFFF  }
0x189: {  	_ =	shalt  }

</sc_bundles>
